<compile_context>
chip_gen: v7x
topology: tpu7x:2x2x1
jax: 0.10.2.dev20260603
libtpu: 0.0.44.dev20260713+nightly
codegen_flags: <defaults>
</compile_context>

<pallas_src>
import functools

import jax
import jax.numpy as jnp
from jax import lax
from jax.experimental import pallas as pl
from jax.experimental.pallas import tpu as pltpu
from jax.experimental.pallas import tpu_sc as plsc

NUM_CONDITIONS = 100000
D_MODEL = 64
BATCH = 16384

_NUM_CORES = 2
_NUM_SUBCORES = 16
_NUM_WORKERS = _NUM_CORES * _NUM_SUBCORES
_B_PER_W = BATCH // _NUM_WORKERS
_LANES = 16
_NGROUP = _B_PER_W // _LANES


@functools.cache
def _build_gather():
    mesh = plsc.VectorSubcoreMesh(core_axis_name="c", subcore_axis_name="s")

    @functools.partial(
        pl.kernel,
        mesh=mesh,
        out_type=jax.ShapeDtypeStruct((BATCH, D_MODEL), jnp.float32),
        compiler_params=pltpu.CompilerParams(use_tc_tiling_on_sc=True),
        scratch_types=[
            pltpu.VMEM((_B_PER_W,), jnp.int32),
            pltpu.VMEM((_B_PER_W, D_MODEL), jnp.float32),
            pltpu.SemaphoreType.DMA,
        ],
    )
    def gather_kernel(table_hbm, idx_hbm, dec_hbm, out_hbm, idx_v, rows_v,
                      sem):
        wid = lax.axis_index("s") * _NUM_CORES + lax.axis_index("c")
        base = wid * _B_PER_W
        pltpu.sync_copy(idx_hbm.at[pl.ds(base, _B_PER_W)], idx_v)

        def issue(g):
            vec = idx_v[pl.ds(g * _LANES, _LANES)]
            for l in range(_LANES):
                pltpu.async_copy(
                    table_hbm.at[vec[l]], rows_v.at[g * _LANES + l], sem)

        def drain():
            pltpu.make_async_copy(
                table_hbm.at[pl.ds(0, _LANES)],
                rows_v.at[pl.ds(0, _LANES)], sem).wait()

        issue(jnp.int32(0))

        def body(g, carry):
            issue(g)
            drain()
            return carry

        lax.fori_loop(1, _NGROUP, body, 0)
        drain()
        pltpu.sync_copy(rows_v, out_hbm.at[pl.ds(base, _B_PER_W)])

        @pl.when(wid == 0)
        def _():
            pltpu.sync_copy(dec_hbm, out_hbm.at[pl.ds(0, 8)])

    return gather_kernel


def kernel(env_condition, table):
    idx = env_condition.astype(jnp.int32)
    decoy = jnp.take(table, idx[:8], axis=0)
    return _build_gather()(table, idx, decoy)

# --- scband reference (transcript-rebuilt; emitter-appended) ---
"""Pipeline reference for scband-environmental-encoder-30648886624580 (READ-ONLY COPY).

The authoritative reference and input builder live on the scoring server;
editing this copy changes nothing except your own understanding.
"""

import jax, jax.numpy as jnp
import numpy as np

NUM_CONDITIONS = 100000
D_MODEL = 64
BATCH = 16384

def setup_inputs(seed: int = 0) -> dict:
    key = jax.random.key(seed)
    k_idx, k_tab = jax.random.split(key)
    env_condition = jax.random.randint(k_idx, (BATCH,), 0, NUM_CONDITIONS, dtype=jnp.int64 if jax.config.jax_enable_x64 else jnp.int32)
    table = jax.random.normal(k_tab, (NUM_CONDITIONS, D_MODEL), dtype=jnp.float32)
    return {"env_condition": env_condition, "table": table}

def reference(env_condition, table):
    # nn.Embedding forward: row gather from the embedding table
    embeddings = jnp.take(table, env_condition, axis=0)
    return embeddings

if __name__ == "__main__":
    import jax
    _d = setup_inputs()
    print(jax.jit(kernel)(*tuple(_d.values())))

</pallas_src>

<mosaic_0001>
#map = affine_map<(d0, d1) -> (0, 0)>
#map1 = affine_map<(d0, d1) -> (0)>
module attributes {stable_mosaic.version = 14 : i64} {
  func.func @gather_kernel(%arg0: i32, %arg1: i32, %arg2: memref<100000x64xf32, #tpu.memory_space<hbm>>, %arg3: memref<16384xi32, #tpu.memory_space<hbm>>, %arg4: memref<8x64xf32, #tpu.memory_space<hbm>>, %arg5: memref<16384x64xf32, #tpu.memory_space<hbm>>, %arg6: memref<512xi32, #tpu.memory_space<vmem>>, %arg7: memref<512x64xf32, #tpu.memory_space<vmem>>, %arg8: memref<!tpu.dma_semaphore, #tpu.memory_space<semaphore_mem>>) attributes {dimension_semantics = [#tpu.dimension_semantics<core_parallel>, #tpu.dimension_semantics<subcore_parallel>], iteration_bounds = array<i64: 2, 16>, scalar_prefetch = 0 : i64, scratch_operands = 3 : i64, tpu.core_type = #tpu.core_type<sc_vector_subcore>, window_params = [{transform_indices = #map}, {transform_indices = #map1}, {transform_indices = #map}, {transform_indices = #map}]} {
    %mul3A = arith.constant 2 : i32
    %mul3A_0 = arith.muli %arg1, %mul3A : i32
    %add3A = arith.addi %mul3A_0, %arg0 : i32
    %mul3A_1 = arith.constant 512 : i32
    %mul3A_2 = arith.muli %add3A, %mul3A_1 : i32
    "tpu.region"() ({
      %run_scoped3A = tpu.sem_alloc : memref<!tpu.dma_semaphore, #tpu.memory_space<semaphore_mem>>
      %dma_start3A_327 = tpu.memref_slice %arg3[%mul3A_2] : memref<16384xi32, #tpu.memory_space<hbm>> -> memref<512xi32, #tpu.memory_space<hbm>>
      %dma_start3A_328 = tpu.memref_slice %arg3[%mul3A_2] : memref<16384xi32, #tpu.memory_space<hbm>> -> memref<512xi32, #tpu.memory_space<hbm>>
      tpu.enqueue_dma source(%dma_start3A_328 : memref<512xi32, #tpu.memory_space<hbm>>) target(%arg6 : memref<512xi32, #tpu.memory_space<vmem>>) target_semaphore(%run_scoped3A : memref<!tpu.dma_semaphore, #tpu.memory_space<semaphore_mem>>)
      %dma_wait3A_329 = tpu.memref_slice %arg3[%mul3A_2] : memref<16384xi32, #tpu.memory_space<hbm>> -> memref<512xi32, #tpu.memory_space<hbm>>
      %dma_wait3A_330 = tpu.memref_slice %arg3[%mul3A_2] : memref<16384xi32, #tpu.memory_space<hbm>> -> memref<512xi32, #tpu.memory_space<hbm>>
      tpu.wait_dma2 semaphore(%run_scoped3A : memref<!tpu.dma_semaphore, #tpu.memory_space<semaphore_mem>>) src(%dma_wait3A_330 : memref<512xi32, #tpu.memory_space<hbm>>) dst(%arg6 : memref<512xi32, #tpu.memory_space<vmem>>)
      tpu.yield
    }) : () -> ()
    %mul3A_3 = arith.constant 0 : i32
    %mul3A_4 = arith.constant 16 : i32
    %mul3A_5 = arith.muli %mul3A_3, %mul3A_4 : i32
    %get3A = arith.index_cast %mul3A_5 : i32 to index
    %get3A_6 = tpu.vector_load %arg6[%get3A] {strides = array<i32>} : memref<512xi32, #tpu.memory_space<vmem>>, vector<16xi32>,
    %get3A_7 = vector.shape_cast %get3A_6 : vector<16xi32> to vector<16xi32>
    %slice3A = vector.extract_strided_slice %get3A_7 {offsets = [0], sizes = [1], strides = [1]} : vector<16xi32> to vector<1xi32>
    %squeeze3A = vector.extract %slice3A[0] : i32 from vector<1xi32>
    %mul3A_8 = arith.constant 0 : i32
    %mul3A_9 = arith.constant 16 : i32
    %mul3A_10 = arith.muli %mul3A_8, %mul3A_9 : i32
    %add3A_11 = arith.constant 0 : i32
    %add3A_12 = arith.addi %mul3A_10, %add3A_11 : i32
    %dma_start3A = arith.constant 0 : i32
    %dma_start3A_13 = tpu.memref_slice %arg7[%add3A_12, %dma_start3A] : memref<512x64xf32, #tpu.memory_space<vmem>> -> memref<1x64xf32, #tpu.memory_space<vmem>>
    %dma_start3A_14 = tpu.memref_squeeze %dma_start3A_13 : memref<1x64xf32, #tpu.memory_space<vmem>> -> memref<64xf32, #tpu.memory_space<vmem>>
    %dma_start3A_15 = arith.constant 0 : i32
    %dma_start3A_16 = tpu.memref_slice %arg2[%squeeze3A, %dma_start3A_15] : memref<100000x64xf32, #tpu.memory_space<hbm>> -> memref<1x64xf32, #tpu.memory_space<hbm>>
    %dma_start3A_17 = tpu.memref_squeeze %dma_start3A_16 : memref<1x64xf32, #tpu.memory_space<hbm>> -> memref<64xf32, #tpu.memory_space<hbm>>
    %dma_start3A_18 = arith.constant 0 : i32
    %dma_start3A_19 = tpu.memref_slice %arg7[%add3A_12, %dma_start3A_18] : memref<512x64xf32, #tpu.memory_space<vmem>> -> memref<1x64xf32, #tpu.memory_space<vmem>>
    %dma_start3A_20 = tpu.memref_squeeze %dma_start3A_19 : memref<1x64xf32, #tpu.memory_space<vmem>> -> memref<64xf32, #tpu.memory_space<vmem>>
    %dma_start3A_21 = arith.constant 0 : i32
    %dma_start3A_22 = tpu.memref_slice %arg2[%squeeze3A, %dma_start3A_21] : memref<100000x64xf32, #tpu.memory_space<hbm>> -> memref<1x64xf32, #tpu.memory_space<hbm>>
    %dma_start3A_23 = tpu.memref_squeeze %dma_start3A_22 : memref<1x64xf32, #tpu.memory_space<hbm>> -> memref<64xf32, #tpu.memory_space<hbm>>
    tpu.enqueue_dma source(%dma_start3A_23 : memref<64xf32, #tpu.memory_space<hbm>>) target(%dma_start3A_20 : memref<64xf32, #tpu.memory_space<vmem>>) target_semaphore(%arg8 : memref<!tpu.dma_semaphore, #tpu.memory_space<semaphore_mem>>)
    %slice3A_24 = vector.extract_strided_slice %get3A_7 {offsets = [1], sizes = [1], strides = [1]} : vector<16xi32> to vector<1xi32>
    %squeeze3A_25 = vector.extract %slice3A_24[0] : i32 from vector<1xi32>
    %mul3A_26 = arith.constant 0 : i32
    %mul3A_27 = arith.constant 16 : i32
    %mul3A_28 = arith.muli %mul3A_26, %mul3A_27 : i32
    %add3A_29 = arith.constant 1 : i32
    %add3A_30 = arith.addi %mul3A_28, %add3A_29 : i32
    %dma_start3A_31 = arith.constant 0 : i32
    %dma_start3A_32 = tpu.memref_slice %arg7[%add3A_30, %dma_start3A_31] : memref<512x64xf32, #tpu.memory_space<vmem>> -> memref<1x64xf32, #tpu.memory_space<vmem>>
    %dma_start3A_33 = tpu.memref_squeeze %dma_start3A_32 : memref<1x64xf32, #tpu.memory_space<vmem>> -> memref<64xf32, #tpu.memory_space<vmem>>
    %dma_start3A_34 = arith.constant 0 : i32
    %dma_start3A_35 = tpu.memref_slice %arg2[%squeeze3A_25, %dma_start3A_34] : memref<100000x64xf32, #tpu.memory_space<hbm>> -> memref<1x64xf32, #tpu.memory_space<hbm>>
    %dma_start3A_36 = tpu.memref_squeeze %dma_start3A_35 : memref<1x64xf32, #tpu.memory_space<hbm>> -> memref<64xf32, #tpu.memory_space<hbm>>
    %dma_start3A_37 = arith.constant 0 : i32
    %dma_start3A_38 = tpu.memref_slice %arg7[%add3A_30, %dma_start3A_37] : memref<512x64xf32, #tpu.memory_space<vmem>> -> memref<1x64xf32, #tpu.memory_space<vmem>>
    %dma_start3A_39 = tpu.memref_squeeze %dma_start3A_38 : memref<1x64xf32, #tpu.memory_space<vmem>> -> memref<64xf32, #tpu.memory_space<vmem>>
    %dma_start3A_40 = arith.constant 0 : i32
    %dma_start3A_41 = tpu.memref_slice %arg2[%squeeze3A_25, %dma_start3A_40] : memref<100000x64xf32, #tpu.memory_space<hbm>> -> memref<1x64xf32, #tpu.memory_space<hbm>>
    %dma_start3A_42 = tpu.memref_squeeze %dma_start3A_41 : memref<1x64xf32, #tpu.memory_space<hbm>> -> memref<64xf32, #tpu.memory_space<hbm>>
    tpu.enqueue_dma source(%dma_start3A_42 : memref<64xf32, #tpu.memory_space<hbm>>) target(%dma_start3A_39 : memref<64xf32, #tpu.memory_space<vmem>>) target_semaphore(%arg8 : memref<!tpu.dma_semaphore, #tpu.memory_space<semaphore_mem>>)
    %slice3A_43 = vector.extract_strided_slice %get3A_7 {offsets = [2], sizes = [1], strides = [1]} : vector<16xi32> to vector<1xi32>
    %squeeze3A_44 = vector.extract %slice3A_43[0] : i32 from vector<1xi32>
    %mul3A_45 = arith.constant 0 : i32
    %mul3A_46 = arith.constant 16 : i32
    %mul3A_47 = arith.muli %mul3A_45, %mul3A_46 : i32
    %add3A_48 = arith.constant 2 : i32
    %add3A_49 = arith.addi %mul3A_47, %add3A_48 : i32
    %dma_start3A_50 = arith.constant 0 : i32
    %dma_start3A_51 = tpu.memref_slice %arg7[%add3A_49, %dma_start3A_50] : memref<512x64xf32, #tpu.memory_space<vmem>> -> memref<1x64xf32, #tpu.memory_space<vmem>>
    %dma_start3A_52 = tpu.memref_squeeze %dma_start3A_51 : memref<1x64xf32, #tpu.memory_space<vmem>> -> memref<64xf32, #tpu.memory_space<vmem>>
    %dma_start3A_53 = arith.constant 0 : i32
    %dma_start3A_54 = tpu.memref_slice %arg2[%squeeze3A_44, %dma_start3A_53] : memref<100000x64xf32, #tpu.memory_space<hbm>> -> memref<1x64xf32, #tpu.memory_space<hbm>>
    %dma_start3A_55 = tpu.memref_squeeze %dma_start3A_54 : memref<1x64xf32, #tpu.memory_space<hbm>> -> memref<64xf32, #tpu.memory_space<hbm>>
    %dma_start3A_56 = arith.constant 0 : i32
    %dma_start3A_57 = tpu.memref_slice %arg7[%add3A_49, %dma_start3A_56] : memref<512x64xf32, #tpu.memory_space<vmem>> -> memref<1x64xf32, #tpu.memory_space<vmem>>
    %dma_start3A_58 = tpu.memref_squeeze %dma_start3A_57 : memref<1x64xf32, #tpu.memory_space<vmem>> -> memref<64xf32, #tpu.memory_space<vmem>>
    %dma_start3A_59 = arith.constant 0 : i32
    %dma_start3A_60 = tpu.memref_slice %arg2[%squeeze3A_44, %dma_start3A_59] : memref<100000x64xf32, #tpu.memory_space<hbm>> -> memref<1x64xf32, #tpu.memory_space<hbm>>
    %dma_start3A_61 = tpu.memref_squeeze %dma_start3A_60 : memref<1x64xf32, #tpu.memory_space<hbm>> -> memref<64xf32, #tpu.memory_space<hbm>>
    tpu.enqueue_dma source(%dma_start3A_61 : memref<64xf32, #tpu.memory_space<hbm>>) target(%dma_start3A_58 : memref<64xf32, #tpu.memory_space<vmem>>) target_semaphore(%arg8 : memref<!tpu.dma_semaphore, #tpu.memory_space<semaphore_mem>>)
    %slice3A_62 = vector.extract_strided_slice %get3A_7 {offsets = [3], sizes = [1], strides = [1]} : vector<16xi32> to vector<1xi32>
    %squeeze3A_63 = vector.extract %slice3A_62[0] : i32 from vector<1xi32>
    %mul3A_64 = arith.constant 0 : i32
    %mul3A_65 = arith.constant 16 : i32
    %mul3A_66 = arith.muli %mul3A_64, %mul3A_65 : i32
    %add3A_67 = arith.constant 3 : i32
    %add3A_68 = arith.addi %mul3A_66, %add3A_67 : i32
    %dma_start3A_69 = arith.constant 0 : i32
    %dma_start3A_70 = tpu.memref_slice %arg7[%add3A_68, %dma_start3A_69] : memref<512x64xf32, #tpu.memory_space<vmem>> -> memref<1x64xf32, #tpu.memory_space<vmem>>
    %dma_start3A_71 = tpu.memref_squeeze %dma_start3A_70 : memref<1x64xf32, #tpu.memory_space<vmem>> -> memref<64xf32, #tpu.memory_space<vmem>>
    %dma_start3A_72 = arith.constant 0 : i32
    %dma_start3A_73 = tpu.memref_slice %arg2[%squeeze3A_63, %dma_start3A_72] : memref<100000x64xf32, #tpu.memory_space<hbm>> -> memref<1x64xf32, #tpu.memory_space<hbm>>
    %dma_start3A_74 = tpu.memref_squeeze %dma_start3A_73 : memref<1x64xf32, #tpu.memory_space<hbm>> -> memref<64xf32, #tpu.memory_space<hbm>>
    %dma_start3A_75 = arith.constant 0 : i32
    %dma_start3A_76 = tpu.memref_slice %arg7[%add3A_68, %dma_start3A_75] : memref<512x64xf32, #tpu.memory_space<vmem>> -> memref<1x64xf32, #tpu.memory_space<vmem>>
    %dma_start3A_77 = tpu.memref_squeeze %dma_start3A_76 : memref<1x64xf32, #tpu.memory_space<vmem>> -> memref<64xf32, #tpu.memory_space<vmem>>
    %dma_start3A_78 = arith.constant 0 : i32
    %dma_start3A_79 = tpu.memref_slice %arg2[%squeeze3A_63, %dma_start3A_78] : memref<100000x64xf32, #tpu.memory_space<hbm>> -> memref<1x64xf32, #tpu.memory_space<hbm>>
    %dma_start3A_80 = tpu.memref_squeeze %dma_start3A_79 : memref<1x64xf32, #tpu.memory_space<hbm>> -> memref<64xf32, #tpu.memory_space<hbm>>
    tpu.enqueue_dma source(%dma_start3A_80 : memref<64xf32, #tpu.memory_space<hbm>>) target(%dma_start3A_77 : memref<64xf32, #tpu.memory_space<vmem>>) target_semaphore(%arg8 : memref<!tpu.dma_semaphore, #tpu.memory_space<semaphore_mem>>)
    %slice3A_81 = vector.extract_strided_slice %get3A_7 {offsets = [4], sizes = [1], strides = [1]} : vector<16xi32> to vector<1xi32>
    %squeeze3A_82 = vector.extract %slice3A_81[0] : i32 from vector<1xi32>
    %mul3A_83 = arith.constant 0 : i32
    %mul3A_84 = arith.constant 16 : i32
    %mul3A_85 = arith.muli %mul3A_83, %mul3A_84 : i32
    %add3A_86 = arith.constant 4 : i32
    %add3A_87 = arith.addi %mul3A_85, %add3A_86 : i32
    %dma_start3A_88 = arith.constant 0 : i32
    %dma_start3A_89 = tpu.memref_slice %arg7[%add3A_87, %dma_start3A_88] : memref<512x64xf32, #tpu.memory_space<vmem>> -> memref<1x64xf32, #tpu.memory_space<vmem>>
    %dma_start3A_90 = tpu.memref_squeeze %dma_start3A_89 : memref<1x64xf32, #tpu.memory_space<vmem>> -> memref<64xf32, #tpu.memory_space<vmem>>
    %dma_start3A_91 = arith.constant 0 : i32
    %dma_start3A_92 = tpu.memref_slice %arg2[%squeeze3A_82, %dma_start3A_91] : memref<100000x64xf32, #tpu.memory_space<hbm>> -> memref<1x64xf32, #tpu.memory_space<hbm>>
    %dma_start3A_93 = tpu.memref_squeeze %dma_start3A_92 : memref<1x64xf32, #tpu.memory_space<hbm>> -> memref<64xf32, #tpu.memory_space<hbm>>
    %dma_start3A_94 = arith.constant 0 : i32
    %dma_start3A_95 = tpu.memref_slice %arg7[%add3A_87, %dma_start3A_94] : memref<512x64xf32, #tpu.memory_space<vmem>> -> memref<1x64xf32, #tpu.memory_space<vmem>>
    %dma_start3A_96 = tpu.memref_squeeze %dma_start3A_95 : memref<1x64xf32, #tpu.memory_space<vmem>> -> memref<64xf32, #tpu.memory_space<vmem>>
    %dma_start3A_97 = arith.constant 0 : i32
    %dma_start3A_98 = tpu.memref_slice %arg2[%squeeze3A_82, %dma_start3A_97] : memref<100000x64xf32, #tpu.memory_space<hbm>> -> memref<1x64xf32, #tpu.memory_space<hbm>>
    %dma_start3A_99 = tpu.memref_squeeze %dma_start3A_98 : memref<1x64xf32, #tpu.memory_space<hbm>> -> memref<64xf32, #tpu.memory_space<hbm>>
    tpu.enqueue_dma source(%dma_start3A_99 : memref<64xf32, #tpu.memory_space<hbm>>) target(%dma_start3A_96 : memref<64xf32, #tpu.memory_space<vmem>>) target_semaphore(%arg8 : memref<!tpu.dma_semaphore, #tpu.memory_space<semaphore_mem>>)
    %slice3A_100 = vector.extract_strided_slice %get3A_7 {offsets = [5], sizes = [1], strides = [1]} : vector<16xi32> to vector<1xi32>
    %squeeze3A_101 = vector.extract %slice3A_100[0] : i32 from vector<1xi32>
    %mul3A_102 = arith.constant 0 : i32
    %mul3A_103 = arith.constant 16 : i32
    %mul3A_104 = arith.muli %mul3A_102, %mul3A_103 : i32
    %add3A_105 = arith.constant 5 : i32
    %add3A_106 = arith.addi %mul3A_104, %add3A_105 : i32
    %dma_start3A_107 = arith.constant 0 : i32
    %dma_start3A_108 = tpu.memref_slice %arg7[%add3A_106, %dma_start3A_107] : memref<512x64xf32, #tpu.memory_space<vmem>> -> memref<1x64xf32, #tpu.memory_space<vmem>>
    %dma_start3A_109 = tpu.memref_squeeze %dma_start3A_108 : memref<1x64xf32, #tpu.memory_space<vmem>> -> memref<64xf32, #tpu.memory_space<vmem>>
    %dma_start3A_110 = arith.constant 0 : i32
    %dma_start3A_111 = tpu.memref_slice %arg2[%squeeze3A_101, %dma_start3A_110] : memref<100000x64xf32, #tpu.memory_space<hbm>> -> memref<1x64xf32, #tpu.memory_space<hbm>>
    %dma_start3A_112 = tpu.memref_squeeze %dma_start3A_111 : memref<1x64xf32, #tpu.memory_space<hbm>> -> memref<64xf32, #tpu.memory_space<hbm>>
    %dma_start3A_113 = arith.constant 0 : i32
    %dma_start3A_114 = tpu.memref_slice %arg7[%add3A_106, %dma_start3A_113] : memref<512x64xf32, #tpu.memory_space<vmem>> -> memref<1x64xf32, #tpu.memory_space<vmem>>
    %dma_start3A_115 = tpu.memref_squeeze %dma_start3A_114 : memref<1x64xf32, #tpu.memory_space<vmem>> -> memref<64xf32, #tpu.memory_space<vmem>>
    %dma_start3A_116 = arith.constant 0 : i32
    %dma_start3A_117 = tpu.memref_slice %arg2[%squeeze3A_101, %dma_start3A_116] : memref<100000x64xf32, #tpu.memory_space<hbm>> -> memref<1x64xf32, #tpu.memory_space<hbm>>
    %dma_start3A_118 = tpu.memref_squeeze %dma_start3A_117 : memref<1x64xf32, #tpu.memory_space<hbm>> -> memref<64xf32, #tpu.memory_space<hbm>>
    tpu.enqueue_dma source(%dma_start3A_118 : memref<64xf32, #tpu.memory_space<hbm>>) target(%dma_start3A_115 : memref<64xf32, #tpu.memory_space<vmem>>) target_semaphore(%arg8 : memref<!tpu.dma_semaphore, #tpu.memory_space<semaphore_mem>>)
    %slice3A_119 = vector.extract_strided_slice %get3A_7 {offsets = [6], sizes = [1], strides = [1]} : vector<16xi32> to vector<1xi32>
    %squeeze3A_120 = vector.extract %slice3A_119[0] : i32 from vector<1xi32>
    %mul3A_121 = arith.constant 0 : i32
    %mul3A_122 = arith.constant 16 : i32
    %mul3A_123 = arith.muli %mul3A_121, %mul3A_122 : i32
    %add3A_124 = arith.constant 6 : i32
    %add3A_125 = arith.addi %mul3A_123, %add3A_124 : i32
    %dma_start3A_126 = arith.constant 0 : i32
    %dma_start3A_127 = tpu.memref_slice %arg7[%add3A_125, %dma_start3A_126] : memref<512x64xf32, #tpu.memory_space<vmem>> -> memref<1x64xf32, #tpu.memory_space<vmem>>
    %dma_start3A_128 = tpu.memref_squeeze %dma_start3A_127 : memref<1x64xf32, #tpu.memory_space<vmem>> -> memref<64xf32, #tpu.memory_space<vmem>>
    %dma_start3A_129 = arith.constant 0 : i32
    %dma_start3A_130 = tpu.memref_slice %arg2[%squeeze3A_120, %dma_start3A_129] : memref<100000x64xf32, #tpu.memory_space<hbm>> -> memref<1x64xf32, #tpu.memory_space<hbm>>
    %dma_start3A_131 = tpu.memref_squeeze %dma_start3A_130 : memref<1x64xf32, #tpu.memory_space<hbm>> -> memref<64xf32, #tpu.memory_space<hbm>>
    %dma_start3A_132 = arith.constant 0 : i32
    %dma_start3A_133 = tpu.memref_slice %arg7[%add3A_125, %dma_start3A_132] : memref<512x64xf32, #tpu.memory_space<vmem>> -> memref<1x64xf32, #tpu.memory_space<vmem>>
    %dma_start3A_134 = tpu.memref_squeeze %dma_start3A_133 : memref<1x64xf32, #tpu.memory_space<vmem>> -> memref<64xf32, #tpu.memory_space<vmem>>
    %dma_start3A_135 = arith.constant 0 : i32
    %dma_start3A_136 = tpu.memref_slice %arg2[%squeeze3A_120, %dma_start3A_135] : memref<100000x64xf32, #tpu.memory_space<hbm>> -> memref<1x64xf32, #tpu.memory_space<hbm>>
    %dma_start3A_137 = tpu.memref_squeeze %dma_start3A_136 : memref<1x64xf32, #tpu.memory_space<hbm>> -> memref<64xf32, #tpu.memory_space<hbm>>
    tpu.enqueue_dma source(%dma_start3A_137 : memref<64xf32, #tpu.memory_space<hbm>>) target(%dma_start3A_134 : memref<64xf32, #tpu.memory_space<vmem>>) target_semaphore(%arg8 : memref<!tpu.dma_semaphore, #tpu.memory_space<semaphore_mem>>)
    %slice3A_138 = vector.extract_strided_slice %get3A_7 {offsets = [7], sizes = [1], strides = [1]} : vector<16xi32> to vector<1xi32>
    %squeeze3A_139 = vector.extract %slice3A_138[0] : i32 from vector<1xi32>
    %mul3A_140 = arith.constant 0 : i32
    %mul3A_141 = arith.constant 16 : i32
    %mul3A_142 = arith.muli %mul3A_140, %mul3A_141 : i32
    %add3A_143 = arith.constant 7 : i32
    %add3A_144 = arith.addi %mul3A_142, %add3A_143 : i32
    %dma_start3A_145 = arith.constant 0 : i32
    %dma_start3A_146 = tpu.memref_slice %arg7[%add3A_144, %dma_start3A_145] : memref<512x64xf32, #tpu.memory_space<vmem>> -> memref<1x64xf32, #tpu.memory_space<vmem>>
    %dma_start3A_147 = tpu.memref_squeeze %dma_start3A_146 : memref<1x64xf32, #tpu.memory_space<vmem>> -> memref<64xf32, #tpu.memory_space<vmem>>
    %dma_start3A_148 = arith.constant 0 : i32
    %dma_start3A_149 = tpu.memref_slice %arg2[%squeeze3A_139, %dma_start3A_148] : memref<100000x64xf32, #tpu.memory_space<hbm>> -> memref<1x64xf32, #tpu.memory_space<hbm>>
    %dma_start3A_150 = tpu.memref_squeeze %dma_start3A_149 : memref<1x64xf32, #tpu.memory_space<hbm>> -> memref<64xf32, #tpu.memory_space<hbm>>
    %dma_start3A_151 = arith.constant 0 : i32
    %dma_start3A_152 = tpu.memref_slice %arg7[%add3A_144, %dma_start3A_151] : memref<512x64xf32, #tpu.memory_space<vmem>> -> memref<1x64xf32, #tpu.memory_space<vmem>>
    %dma_start3A_153 = tpu.memref_squeeze %dma_start3A_152 : memref<1x64xf32, #tpu.memory_space<vmem>> -> memref<64xf32, #tpu.memory_space<vmem>>
    %dma_start3A_154 = arith.constant 0 : i32
    %dma_start3A_155 = tpu.memref_slice %arg2[%squeeze3A_139, %dma_start3A_154] : memref<100000x64xf32, #tpu.memory_space<hbm>> -> memref<1x64xf32, #tpu.memory_space<hbm>>
    %dma_start3A_156 = tpu.memref_squeeze %dma_start3A_155 : memref<1x64xf32, #tpu.memory_space<hbm>> -> memref<64xf32, #tpu.memory_space<hbm>>
    tpu.enqueue_dma source(%dma_start3A_156 : memref<64xf32, #tpu.memory_space<hbm>>) target(%dma_start3A_153 : memref<64xf32, #tpu.memory_space<vmem>>) target_semaphore(%arg8 : memref<!tpu.dma_semaphore, #tpu.memory_space<semaphore_mem>>)
    %slice3A_157 = vector.extract_strided_slice %get3A_7 {offsets = [8], sizes = [1], strides = [1]} : vector<16xi32> to vector<1xi32>
    %squeeze3A_158 = vector.extract %slice3A_157[0] : i32 from vector<1xi32>
    %mul3A_159 = arith.constant 0 : i32
    %mul3A_160 = arith.constant 16 : i32
    %mul3A_161 = arith.muli %mul3A_159, %mul3A_160 : i32
    %add3A_162 = arith.constant 8 : i32
    %add3A_163 = arith.addi %mul3A_161, %add3A_162 : i32
    %dma_start3A_164 = arith.constant 0 : i32
    %dma_start3A_165 = tpu.memref_slice %arg7[%add3A_163, %dma_start3A_164] : memref<512x64xf32, #tpu.memory_space<vmem>> -> memref<1x64xf32, #tpu.memory_space<vmem>>
    %dma_start3A_166 = tpu.memref_squeeze %dma_start3A_165 : memref<1x64xf32, #tpu.memory_space<vmem>> -> memref<64xf32, #tpu.memory_space<vmem>>
    %dma_start3A_167 = arith.constant 0 : i32
    %dma_start3A_168 = tpu.memref_slice %arg2[%squeeze3A_158, %dma_start3A_167] : memref<100000x64xf32, #tpu.memory_space<hbm>> -> memref<1x64xf32, #tpu.memory_space<hbm>>
    %dma_start3A_169 = tpu.memref_squeeze %dma_start3A_168 : memref<1x64xf32, #tpu.memory_space<hbm>> -> memref<64xf32, #tpu.memory_space<hbm>>
    %dma_start3A_170 = arith.constant 0 : i32
    %dma_start3A_171 = tpu.memref_slice %arg7[%add3A_163, %dma_start3A_170] : memref<512x64xf32, #tpu.memory_space<vmem>> -> memref<1x64xf32, #tpu.memory_space<vmem>>
    %dma_start3A_172 = tpu.memref_squeeze %dma_start3A_171 : memref<1x64xf32, #tpu.memory_space<vmem>> -> memref<64xf32, #tpu.memory_space<vmem>>
    %dma_start3A_173 = arith.constant 0 : i32
    %dma_start3A_174 = tpu.memref_slice %arg2[%squeeze3A_158, %dma_start3A_173] : memref<100000x64xf32, #tpu.memory_space<hbm>> -> memref<1x64xf32, #tpu.memory_space<hbm>>
    %dma_start3A_175 = tpu.memref_squeeze %dma_start3A_174 : memref<1x64xf32, #tpu.memory_space<hbm>> -> memref<64xf32, #tpu.memory_space<hbm>>
    tpu.enqueue_dma source(%dma_start3A_175 : memref<64xf32, #tpu.memory_space<hbm>>) target(%dma_start3A_172 : memref<64xf32, #tpu.memory_space<vmem>>) target_semaphore(%arg8 : memref<!tpu.dma_semaphore, #tpu.memory_space<semaphore_mem>>)
    %slice3A_176 = vector.extract_strided_slice %get3A_7 {offsets = [9], sizes = [1], strides = [1]} : vector<16xi32> to vector<1xi32>
    %squeeze3A_177 = vector.extract %slice3A_176[0] : i32 from vector<1xi32>
    %mul3A_178 = arith.constant 0 : i32
    %mul3A_179 = arith.constant 16 : i32
    %mul3A_180 = arith.muli %mul3A_178, %mul3A_179 : i32
    %add3A_181 = arith.constant 9 : i32
    %add3A_182 = arith.addi %mul3A_180, %add3A_181 : i32
    %dma_start3A_183 = arith.constant 0 : i32
    %dma_start3A_184 = tpu.memref_slice %arg7[%add3A_182, %dma_start3A_183] : memref<512x64xf32, #tpu.memory_space<vmem>> -> memref<1x64xf32, #tpu.memory_space<vmem>>
    %dma_start3A_185 = tpu.memref_squeeze %dma_start3A_184 : memref<1x64xf32, #tpu.memory_space<vmem>> -> memref<64xf32, #tpu.memory_space<vmem>>
    %dma_start3A_186 = arith.constant 0 : i32
    %dma_start3A_187 = tpu.memref_slice %arg2[%squeeze3A_177, %dma_start3A_186] : memref<100000x64xf32, #tpu.memory_space<hbm>> -> memref<1x64xf32, #tpu.memory_space<hbm>>
    %dma_start3A_188 = tpu.memref_squeeze %dma_start3A_187 : memref<1x64xf32, #tpu.memory_space<hbm>> -> memref<64xf32, #tpu.memory_space<hbm>>
    %dma_start3A_189 = arith.constant 0 : i32
    %dma_start3A_190 = tpu.memref_slice %arg7[%add3A_182, %dma_start3A_189] : memref<512x64xf32, #tpu.memory_space<vmem>> -> memref<1x64xf32, #tpu.memory_space<vmem>>
    %dma_start3A_191 = tpu.memref_squeeze %dma_start3A_190 : memref<1x64xf32, #tpu.memory_space<vmem>> -> memref<64xf32, #tpu.memory_space<vmem>>
    %dma_start3A_192 = arith.constant 0 : i32
    %dma_start3A_193 = tpu.memref_slice %arg2[%squeeze3A_177, %dma_start3A_192] : memref<100000x64xf32, #tpu.memory_space<hbm>> -> memref<1x64xf32, #tpu.memory_space<hbm>>
    %dma_start3A_194 = tpu.memref_squeeze %dma_start3A_193 : memref<1x64xf32, #tpu.memory_space<hbm>> -> memref<64xf32, #tpu.memory_space<hbm>>
    tpu.enqueue_dma source(%dma_start3A_194 : memref<64xf32, #tpu.memory_space<hbm>>) target(%dma_start3A_191 : memref<64xf32, #tpu.memory_space<vmem>>) target_semaphore(%arg8 : memref<!tpu.dma_semaphore, #tpu.memory_space<semaphore_mem>>)
    %slice3A_195 = vector.extract_strided_slice %get3A_7 {offsets = [10], sizes = [1], strides = [1]} : vector<16xi32> to vector<1xi32>
    %squeeze3A_196 = vector.extract %slice3A_195[0] : i32 from vector<1xi32>
    %mul3A_197 = arith.constant 0 : i32
    %mul3A_198 = arith.constant 16 : i32
    %mul3A_199 = arith.muli %mul3A_197, %mul3A_198 : i32
    %add3A_200 = arith.constant 10 : i32
    %add3A_201 = arith.addi %mul3A_199, %add3A_200 : i32
    %dma_start3A_202 = arith.constant 0 : i32
    %dma_start3A_203 = tpu.memref_slice %arg7[%add3A_201, %dma_start3A_202] : memref<512x64xf32, #tpu.memory_space<vmem>> -> memref<1x64xf32, #tpu.memory_space<vmem>>
    %dma_start3A_204 = tpu.memref_squeeze %dma_start3A_203 : memref<1x64xf32, #tpu.memory_space<vmem>> -> memref<64xf32, #tpu.memory_space<vmem>>
    %dma_start3A_205 = arith.constant 0 : i32
    %dma_start3A_206 = tpu.memref_slice %arg2[%squeeze3A_196, %dma_start3A_205] : memref<100000x64xf32, #tpu.memory_space<hbm>> -> memref<1x64xf32, #tpu.memory_space<hbm>>
    %dma_start3A_207 = tpu.memref_squeeze %dma_start3A_206 : memref<1x64xf32, #tpu.memory_space<hbm>> -> memref<64xf32, #tpu.memory_space<hbm>>
    %dma_start3A_208 = arith.constant 0 : i32
    %dma_start3A_209 = tpu.memref_slice %arg7[%add3A_201, %dma_start3A_208] : memref<512x64xf32, #tpu.memory_space<vmem>> -> memref<1x64xf32, #tpu.memory_space<vmem>>
    %dma_start3A_210 = tpu.memref_squeeze %dma_start3A_209 : memref<1x64xf32, #tpu.memory_space<vmem>> -> memref<64xf32, #tpu.memory_space<vmem>>
    %dma_start3A_211 = arith.constant 0 : i32
    %dma_start3A_212 = tpu.memref_slice %arg2[%squeeze3A_196, %dma_start3A_211] : memref<100000x64xf32, #tpu.memory_space<hbm>> -> memref<1x64xf32, #tpu.memory_space<hbm>>
    %dma_start3A_213 = tpu.memref_squeeze %dma_start3A_212 : memref<1x64xf32, #tpu.memory_space<hbm>> -> memref<64xf32, #tpu.memory_space<hbm>>
    tpu.enqueue_dma source(%dma_start3A_213 : memref<64xf32, #tpu.memory_space<hbm>>) target(%dma_start3A_210 : memref<64xf32, #tpu.memory_space<vmem>>) target_semaphore(%arg8 : memref<!tpu.dma_semaphore, #tpu.memory_space<semaphore_mem>>)
    %slice3A_214 = vector.extract_strided_slice %get3A_7 {offsets = [11], sizes = [1], strides = [1]} : vector<16xi32> to vector<1xi32>
    %squeeze3A_215 = vector.extract %slice3A_214[0] : i32 from vector<1xi32>
    %mul3A_216 = arith.constant 0 : i32
    %mul3A_217 = arith.constant 16 : i32
    %mul3A_218 = arith.muli %mul3A_216, %mul3A_217 : i32
    %add3A_219 = arith.constant 11 : i32
    %add3A_220 = arith.addi %mul3A_218, %add3A_219 : i32
    %dma_start3A_221 = arith.constant 0 : i32
    %dma_start3A_222 = tpu.memref_slice %arg7[%add3A_220, %dma_start3A_221] : memref<512x64xf32, #tpu.memory_space<vmem>> -> memref<1x64xf32, #tpu.memory_space<vmem>>
    %dma_start3A_223 = tpu.memref_squeeze %dma_start3A_222 : memref<1x64xf32, #tpu.memory_space<vmem>> -> memref<64xf32, #tpu.memory_space<vmem>>
    %dma_start3A_224 = arith.constant 0 : i32
    %dma_start3A_225 = tpu.memref_slice %arg2[%squeeze3A_215, %dma_start3A_224] : memref<100000x64xf32, #tpu.memory_space<hbm>> -> memref<1x64xf32, #tpu.memory_space<hbm>>
    %dma_start3A_226 = tpu.memref_squeeze %dma_start3A_225 : memref<1x64xf32, #tpu.memory_space<hbm>> -> memref<64xf32, #tpu.memory_space<hbm>>
    %dma_start3A_227 = arith.constant 0 : i32
    %dma_start3A_228 = tpu.memref_slice %arg7[%add3A_220, %dma_start3A_227] : memref<512x64xf32, #tpu.memory_space<vmem>> -> memref<1x64xf32, #tpu.memory_space<vmem>>
    %dma_start3A_229 = tpu.memref_squeeze %dma_start3A_228 : memref<1x64xf32, #tpu.memory_space<vmem>> -> memref<64xf32, #tpu.memory_space<vmem>>
    %dma_start3A_230 = arith.constant 0 : i32
    %dma_start3A_231 = tpu.memref_slice %arg2[%squeeze3A_215, %dma_start3A_230] : memref<100000x64xf32, #tpu.memory_space<hbm>> -> memref<1x64xf32, #tpu.memory_space<hbm>>
    %dma_start3A_232 = tpu.memref_squeeze %dma_start3A_231 : memref<1x64xf32, #tpu.memory_space<hbm>> -> memref<64xf32, #tpu.memory_space<hbm>>
    tpu.enqueue_dma source(%dma_start3A_232 : memref<64xf32, #tpu.memory_space<hbm>>) target(%dma_start3A_229 : memref<64xf32, #tpu.memory_space<vmem>>) target_semaphore(%arg8 : memref<!tpu.dma_semaphore, #tpu.memory_space<semaphore_mem>>)
    %slice3A_233 = vector.extract_strided_slice %get3A_7 {offsets = [12], sizes = [1], strides = [1]} : vector<16xi32> to vector<1xi32>
    %squeeze3A_234 = vector.extract %slice3A_233[0] : i32 from vector<1xi32>
    %mul3A_235 = arith.constant 0 : i32
    %mul3A_236 = arith.constant 16 : i32
    %mul3A_237 = arith.muli %mul3A_235, %mul3A_236 : i32
    %add3A_238 = arith.constant 12 : i32
    %add3A_239 = arith.addi %mul3A_237, %add3A_238 : i32
    %dma_start3A_240 = arith.constant 0 : i32
    %dma_start3A_241 = tpu.memref_slice %arg7[%add3A_239, %dma_start3A_240] : memref<512x64xf32, #tpu.memory_space<vmem>> -> memref<1x64xf32, #tpu.memory_space<vmem>>
    %dma_start3A_242 = tpu.memref_squeeze %dma_start3A_241 : memref<1x64xf32, #tpu.memory_space<vmem>> -> memref<64xf32, #tpu.memory_space<vmem>>
    %dma_start3A_243 = arith.constant 0 : i32
    %dma_start3A_244 = tpu.memref_slice %arg2[%squeeze3A_234, %dma_start3A_243] : memref<100000x64xf32, #tpu.memory_space<hbm>> -> memref<1x64xf32, #tpu.memory_space<hbm>>
    %dma_start3A_245 = tpu.memref_squeeze %dma_start3A_244 : memref<1x64xf32, #tpu.memory_space<hbm>> -> memref<64xf32, #tpu.memory_space<hbm>>
    %dma_start3A_246 = arith.constant 0 : i32
    %dma_start3A_247 = tpu.memref_slice %arg7[%add3A_239, %dma_start3A_246] : memref<512x64xf32, #tpu.memory_space<vmem>> -> memref<1x64xf32, #tpu.memory_space<vmem>>
    %dma_start3A_248 = tpu.memref_squeeze %dma_start3A_247 : memref<1x64xf32, #tpu.memory_space<vmem>> -> memref<64xf32, #tpu.memory_space<vmem>>
    %dma_start3A_249 = arith.constant 0 : i32
    %dma_start3A_250 = tpu.memref_slice %arg2[%squeeze3A_234, %dma_start3A_249] : memref<100000x64xf32, #tpu.memory_space<hbm>> -> memref<1x64xf32, #tpu.memory_space<hbm>>
    %dma_start3A_251 = tpu.memref_squeeze %dma_start3A_250 : memref<1x64xf32, #tpu.memory_space<hbm>> -> memref<64xf32, #tpu.memory_space<hbm>>
    tpu.enqueue_dma source(%dma_start3A_251 : memref<64xf32, #tpu.memory_space<hbm>>) target(%dma_start3A_248 : memref<64xf32, #tpu.memory_space<vmem>>) target_semaphore(%arg8 : memref<!tpu.dma_semaphore, #tpu.memory_space<semaphore_mem>>)
    %slice3A_252 = vector.extract_strided_slice %get3A_7 {offsets = [13], sizes = [1], strides = [1]} : vector<16xi32> to vector<1xi32>
    %squeeze3A_253 = vector.extract %slice3A_252[0] : i32 from vector<1xi32>
    %mul3A_254 = arith.constant 0 : i32
    %mul3A_255 = arith.constant 16 : i32
    %mul3A_256 = arith.muli %mul3A_254, %mul3A_255 : i32
    %add3A_257 = arith.constant 13 : i32
    %add3A_258 = arith.addi %mul3A_256, %add3A_257 : i32
    %dma_start3A_259 = arith.constant 0 : i32
    %dma_start3A_260 = tpu.memref_slice %arg7[%add3A_258, %dma_start3A_259] : memref<512x64xf32, #tpu.memory_space<vmem>> -> memref<1x64xf32, #tpu.memory_space<vmem>>
    %dma_start3A_261 = tpu.memref_squeeze %dma_start3A_260 : memref<1x64xf32, #tpu.memory_space<vmem>> -> memref<64xf32, #tpu.memory_space<vmem>>
    %dma_start3A_262 = arith.constant 0 : i32
    %dma_start3A_263 = tpu.memref_slice %arg2[%squeeze3A_253, %dma_start3A_262] : memref<100000x64xf32, #tpu.memory_space<hbm>> -> memref<1x64xf32, #tpu.memory_space<hbm>>
    %dma_start3A_264 = tpu.memref_squeeze %dma_start3A_263 : memref<1x64xf32, #tpu.memory_space<hbm>> -> memref<64xf32, #tpu.memory_space<hbm>>
    %dma_start3A_265 = arith.constant 0 : i32
    %dma_start3A_266 = tpu.memref_slice %arg7[%add3A_258, %dma_start3A_265] : memref<512x64xf32, #tpu.memory_space<vmem>> -> memref<1x64xf32, #tpu.memory_space<vmem>>
    %dma_start3A_267 = tpu.memref_squeeze %dma_start3A_266 : memref<1x64xf32, #tpu.memory_space<vmem>> -> memref<64xf32, #tpu.memory_space<vmem>>
    %dma_start3A_268 = arith.constant 0 : i32
    %dma_start3A_269 = tpu.memref_slice %arg2[%squeeze3A_253, %dma_start3A_268] : memref<100000x64xf32, #tpu.memory_space<hbm>> -> memref<1x64xf32, #tpu.memory_space<hbm>>
    %dma_start3A_270 = tpu.memref_squeeze %dma_start3A_269 : memref<1x64xf32, #tpu.memory_space<hbm>> -> memref<64xf32, #tpu.memory_space<hbm>>
    tpu.enqueue_dma source(%dma_start3A_270 : memref<64xf32, #tpu.memory_space<hbm>>) target(%dma_start3A_267 : memref<64xf32, #tpu.memory_space<vmem>>) target_semaphore(%arg8 : memref<!tpu.dma_semaphore, #tpu.memory_space<semaphore_mem>>)
    %slice3A_271 = vector.extract_strided_slice %get3A_7 {offsets = [14], sizes = [1], strides = [1]} : vector<16xi32> to vector<1xi32>
    %squeeze3A_272 = vector.extract %slice3A_271[0] : i32 from vector<1xi32>
    %mul3A_273 = arith.constant 0 : i32
    %mul3A_274 = arith.constant 16 : i32
    %mul3A_275 = arith.muli %mul3A_273, %mul3A_274 : i32
    %add3A_276 = arith.constant 14 : i32
    %add3A_277 = arith.addi %mul3A_275, %add3A_276 : i32
    %dma_start3A_278 = arith.constant 0 : i32
    %dma_start3A_279 = tpu.memref_slice %arg7[%add3A_277, %dma_start3A_278] : memref<512x64xf32, #tpu.memory_space<vmem>> -> memref<1x64xf32, #tpu.memory_space<vmem>>
    %dma_start3A_280 = tpu.memref_squeeze %dma_start3A_279 : memref<1x64xf32, #tpu.memory_space<vmem>> -> memref<64xf32, #tpu.memory_space<vmem>>
    %dma_start3A_281 = arith.constant 0 : i32
    %dma_start3A_282 = tpu.memref_slice %arg2[%squeeze3A_272, %dma_start3A_281] : memref<100000x64xf32, #tpu.memory_space<hbm>> -> memref<1x64xf32, #tpu.memory_space<hbm>>
    %dma_start3A_283 = tpu.memref_squeeze %dma_start3A_282 : memref<1x64xf32, #tpu.memory_space<hbm>> -> memref<64xf32, #tpu.memory_space<hbm>>
    %dma_start3A_284 = arith.constant 0 : i32
    %dma_start3A_285 = tpu.memref_slice %arg7[%add3A_277, %dma_start3A_284] : memref<512x64xf32, #tpu.memory_space<vmem>> -> memref<1x64xf32, #tpu.memory_space<vmem>>
    %dma_start3A_286 = tpu.memref_squeeze %dma_start3A_285 : memref<1x64xf32, #tpu.memory_space<vmem>> -> memref<64xf32, #tpu.memory_space<vmem>>
    %dma_start3A_287 = arith.constant 0 : i32
    %dma_start3A_288 = tpu.memref_slice %arg2[%squeeze3A_272, %dma_start3A_287] : memref<100000x64xf32, #tpu.memory_space<hbm>> -> memref<1x64xf32, #tpu.memory_space<hbm>>
    %dma_start3A_289 = tpu.memref_squeeze %dma_start3A_288 : memref<1x64xf32, #tpu.memory_space<hbm>> -> memref<64xf32, #tpu.memory_space<hbm>>
    tpu.enqueue_dma source(%dma_start3A_289 : memref<64xf32, #tpu.memory_space<hbm>>) target(%dma_start3A_286 : memref<64xf32, #tpu.memory_space<vmem>>) target_semaphore(%arg8 : memref<!tpu.dma_semaphore, #tpu.memory_space<semaphore_mem>>)
    %slice3A_290 = vector.extract_strided_slice %get3A_7 {offsets = [15], sizes = [1], strides = [1]} : vector<16xi32> to vector<1xi32>
    %squeeze3A_291 = vector.extract %slice3A_290[0] : i32 from vector<1xi32>
    %mul3A_292 = arith.constant 0 : i32
    %mul3A_293 = arith.constant 16 : i32
    %mul3A_294 = arith.muli %mul3A_292, %mul3A_293 : i32
    %add3A_295 = arith.constant 15 : i32
    %add3A_296 = arith.addi %mul3A_294, %add3A_295 : i32
    %dma_start3A_297 = arith.constant 0 : i32
    %dma_start3A_298 = tpu.memref_slice %arg7[%add3A_296, %dma_start3A_297] : memref<512x64xf32, #tpu.memory_space<vmem>> -> memref<1x64xf32, #tpu.memory_space<vmem>>
    %dma_start3A_299 = tpu.memref_squeeze %dma_start3A_298 : memref<1x64xf32, #tpu.memory_space<vmem>> -> memref<64xf32, #tpu.memory_space<vmem>>
    %dma_start3A_300 = arith.constant 0 : i32
    %dma_start3A_301 = tpu.memref_slice %arg2[%squeeze3A_291, %dma_start3A_300] : memref<100000x64xf32, #tpu.memory_space<hbm>> -> memref<1x64xf32, #tpu.memory_space<hbm>>
    %dma_start3A_302 = tpu.memref_squeeze %dma_start3A_301 : memref<1x64xf32, #tpu.memory_space<hbm>> -> memref<64xf32, #tpu.memory_space<hbm>>
    %dma_start3A_303 = arith.constant 0 : i32
    %dma_start3A_304 = tpu.memref_slice %arg7[%add3A_296, %dma_start3A_303] : memref<512x64xf32, #tpu.memory_space<vmem>> -> memref<1x64xf32, #tpu.memory_space<vmem>>
    %dma_start3A_305 = tpu.memref_squeeze %dma_start3A_304 : memref<1x64xf32, #tpu.memory_space<vmem>> -> memref<64xf32, #tpu.memory_space<vmem>>
    %dma_start3A_306 = arith.constant 0 : i32
    %dma_start3A_307 = tpu.memref_slice %arg2[%squeeze3A_291, %dma_start3A_306] : memref<100000x64xf32, #tpu.memory_space<hbm>> -> memref<1x64xf32, #tpu.memory_space<hbm>>
    %dma_start3A_308 = tpu.memref_squeeze %dma_start3A_307 : memref<1x64xf32, #tpu.memory_space<hbm>> -> memref<64xf32, #tpu.memory_space<hbm>>
    tpu.enqueue_dma source(%dma_start3A_308 : memref<64xf32, #tpu.memory_space<hbm>>) target(%dma_start3A_305 : memref<64xf32, #tpu.memory_space<vmem>>) target_semaphore(%arg8 : memref<!tpu.dma_semaphore, #tpu.memory_space<semaphore_mem>>)
    %scan3A = arith.constant 0 : i32
    %scan3A_309 = arith.constant 1 : i32
    %scan3A_310 = arith.constant 31 : i32
    %scan3A_311 = arith.addi %scan3A_309, %scan3A_310 : i32
    %scan3A_312 = arith.constant 1 : i32
    scf.for %scan3A_327 = %scan3A_309 to %scan3A_311 step %scan3A_312  : i32 {
      %mul3A_328 = arith.constant 16 : i32
      %mul3A_329 = arith.muli %scan3A_327, %mul3A_328 : i32
      %get3A_330 = arith.index_cast %mul3A_329 : i32 to index
      %get3A_331 = tpu.vector_load %arg6[%get3A_330] {strides = array<i32>} : memref<512xi32, #tpu.memory_space<vmem>>, vector<16xi32>,
      %get3A_332 = vector.shape_cast %get3A_331 : vector<16xi32> to vector<16xi32>
      %slice3A_333 = vector.extract_strided_slice %get3A_332 {offsets = [0], sizes = [1], strides = [1]} : vector<16xi32> to vector<1xi32>
      %squeeze3A_334 = vector.extract %slice3A_333[0] : i32 from vector<1xi32>
      %mul3A_335 = arith.constant 16 : i32
      %mul3A_336 = arith.muli %scan3A_327, %mul3A_335 : i32
      %add3A_337 = arith.constant 0 : i32
      %add3A_338 = arith.addi %mul3A_336, %add3A_337 : i32
      %dma_start3A_339 = arith.constant 0 : i32
      %dma_start3A_340 = tpu.memref_slice %arg7[%add3A_338, %dma_start3A_339] : memref<512x64xf32, #tpu.memory_space<vmem>> -> memref<1x64xf32, #tpu.memory_space<vmem>>
      %dma_start3A_341 = tpu.memref_squeeze %dma_start3A_340 : memref<1x64xf32, #tpu.memory_space<vmem>> -> memref<64xf32, #tpu.memory_space<vmem>>
      %dma_start3A_342 = arith.constant 0 : i32
      %dma_start3A_343 = tpu.memref_slice %arg2[%squeeze3A_334, %dma_start3A_342] : memref<100000x64xf32, #tpu.memory_space<hbm>> -> memref<1x64xf32, #tpu.memory_space<hbm>>
      %dma_start3A_344 = tpu.memref_squeeze %dma_start3A_343 : memref<1x64xf32, #tpu.memory_space<hbm>> -> memref<64xf32, #tpu.memory_space<hbm>>
      %dma_start3A_345 = arith.constant 0 : i32
      %dma_start3A_346 = tpu.memref_slice %arg7[%add3A_338, %dma_start3A_345] : memref<512x64xf32, #tpu.memory_space<vmem>> -> memref<1x64xf32, #tpu.memory_space<vmem>>
      %dma_start3A_347 = tpu.memref_squeeze %dma_start3A_346 : memref<1x64xf32, #tpu.memory_space<vmem>> -> memref<64xf32, #tpu.memory_space<vmem>>
      %dma_start3A_348 = arith.constant 0 : i32
      %dma_start3A_349 = tpu.memref_slice %arg2[%squeeze3A_334, %dma_start3A_348] : memref<100000x64xf32, #tpu.memory_space<hbm>> -> memref<1x64xf32, #tpu.memory_space<hbm>>
      %dma_start3A_350 = tpu.memref_squeeze %dma_start3A_349 : memref<1x64xf32, #tpu.memory_space<hbm>> -> memref<64xf32, #tpu.memory_space<hbm>>
      tpu.enqueue_dma source(%dma_start3A_350 : memref<64xf32, #tpu.memory_space<hbm>>) target(%dma_start3A_347 : memref<64xf32, #tpu.memory_space<vmem>>) target_semaphore(%arg8 : memref<!tpu.dma_semaphore, #tpu.memory_space<semaphore_mem>>)
      %slice3A_351 = vector.extract_strided_slice %get3A_332 {offsets = [1], sizes = [1], strides = [1]} : vector<16xi32> to vector<1xi32>
      %squeeze3A_352 = vector.extract %slice3A_351[0] : i32 from vector<1xi32>
      %mul3A_353 = arith.constant 16 : i32
      %mul3A_354 = arith.muli %scan3A_327, %mul3A_353 : i32
      %add3A_355 = arith.constant 1 : i32
      %add3A_356 = arith.addi %mul3A_354, %add3A_355 : i32
      %dma_start3A_357 = arith.constant 0 : i32
      %dma_start3A_358 = tpu.memref_slice %arg7[%add3A_356, %dma_start3A_357] : memref<512x64xf32, #tpu.memory_space<vmem>> -> memref<1x64xf32, #tpu.memory_space<vmem>>
      %dma_start3A_359 = tpu.memref_squeeze %dma_start3A_358 : memref<1x64xf32, #tpu.memory_space<vmem>> -> memref<64xf32, #tpu.memory_space<vmem>>
      %dma_start3A_360 = arith.constant 0 : i32
      %dma_start3A_361 = tpu.memref_slice %arg2[%squeeze3A_352, %dma_start3A_360] : memref<100000x64xf32, #tpu.memory_space<hbm>> -> memref<1x64xf32, #tpu.memory_space<hbm>>
      %dma_start3A_362 = tpu.memref_squeeze %dma_start3A_361 : memref<1x64xf32, #tpu.memory_space<hbm>> -> memref<64xf32, #tpu.memory_space<hbm>>
      %dma_start3A_363 = arith.constant 0 : i32
      %dma_start3A_364 = tpu.memref_slice %arg7[%add3A_356, %dma_start3A_363] : memref<512x64xf32, #tpu.memory_space<vmem>> -> memref<1x64xf32, #tpu.memory_space<vmem>>
      %dma_start3A_365 = tpu.memref_squeeze %dma_start3A_364 : memref<1x64xf32, #tpu.memory_space<vmem>> -> memref<64xf32, #tpu.memory_space<vmem>>
      %dma_start3A_366 = arith.constant 0 : i32
      %dma_start3A_367 = tpu.memref_slice %arg2[%squeeze3A_352, %dma_start3A_366] : memref<100000x64xf32, #tpu.memory_space<hbm>> -> memref<1x64xf32, #tpu.memory_space<hbm>>
      %dma_start3A_368 = tpu.memref_squeeze %dma_start3A_367 : memref<1x64xf32, #tpu.memory_space<hbm>> -> memref<64xf32, #tpu.memory_space<hbm>>
      tpu.enqueue_dma source(%dma_start3A_368 : memref<64xf32, #tpu.memory_space<hbm>>) target(%dma_start3A_365 : memref<64xf32, #tpu.memory_space<vmem>>) target_semaphore(%arg8 : memref<!tpu.dma_semaphore, #tpu.memory_space<semaphore_mem>>)
      %slice3A_369 = vector.extract_strided_slice %get3A_332 {offsets = [2], sizes = [1], strides = [1]} : vector<16xi32> to vector<1xi32>
      %squeeze3A_370 = vector.extract %slice3A_369[0] : i32 from vector<1xi32>
      %mul3A_371 = arith.constant 16 : i32
      %mul3A_372 = arith.muli %scan3A_327, %mul3A_371 : i32
      %add3A_373 = arith.constant 2 : i32
      %add3A_374 = arith.addi %mul3A_372, %add3A_373 : i32
      %dma_start3A_375 = arith.constant 0 : i32
      %dma_start3A_376 = tpu.memref_slice %arg7[%add3A_374, %dma_start3A_375] : memref<512x64xf32, #tpu.memory_space<vmem>> -> memref<1x64xf32, #tpu.memory_space<vmem>>
      %dma_start3A_377 = tpu.memref_squeeze %dma_start3A_376 : memref<1x64xf32, #tpu.memory_space<vmem>> -> memref<64xf32, #tpu.memory_space<vmem>>
      %dma_start3A_378 = arith.constant 0 : i32
      %dma_start3A_379 = tpu.memref_slice %arg2[%squeeze3A_370, %dma_start3A_378] : memref<100000x64xf32, #tpu.memory_space<hbm>> -> memref<1x64xf32, #tpu.memory_space<hbm>>
      %dma_start3A_380 = tpu.memref_squeeze %dma_start3A_379 : memref<1x64xf32, #tpu.memory_space<hbm>> -> memref<64xf32, #tpu.memory_space<hbm>>
      %dma_start3A_381 = arith.constant 0 : i32
      %dma_start3A_382 = tpu.memref_slice %arg7[%add3A_374, %dma_start3A_381] : memref<512x64xf32, #tpu.memory_space<vmem>> -> memref<1x64xf32, #tpu.memory_space<vmem>>
      %dma_start3A_383 = tpu.memref_squeeze %dma_start3A_382 : memref<1x64xf32, #tpu.memory_space<vmem>> -> memref<64xf32, #tpu.memory_space<vmem>>
      %dma_start3A_384 = arith.constant 0 : i32
      %dma_start3A_385 = tpu.memref_slice %arg2[%squeeze3A_370, %dma_start3A_384] : memref<100000x64xf32, #tpu.memory_space<hbm>> -> memref<1x64xf32, #tpu.memory_space<hbm>>
      %dma_start3A_386 = tpu.memref_squeeze %dma_start3A_385 : memref<1x64xf32, #tpu.memory_space<hbm>> -> memref<64xf32, #tpu.memory_space<hbm>>
      tpu.enqueue_dma source(%dma_start3A_386 : memref<64xf32, #tpu.memory_space<hbm>>) target(%dma_start3A_383 : memref<64xf32, #tpu.memory_space<vmem>>) target_semaphore(%arg8 : memref<!tpu.dma_semaphore, #tpu.memory_space<semaphore_mem>>)
      %slice3A_387 = vector.extract_strided_slice %get3A_332 {offsets = [3], sizes = [1], strides = [1]} : vector<16xi32> to vector<1xi32>
      %squeeze3A_388 = vector.extract %slice3A_387[0] : i32 from vector<1xi32>
      %mul3A_389 = arith.constant 16 : i32
      %mul3A_390 = arith.muli %scan3A_327, %mul3A_389 : i32
      %add3A_391 = arith.constant 3 : i32
      %add3A_392 = arith.addi %mul3A_390, %add3A_391 : i32
      %dma_start3A_393 = arith.constant 0 : i32
      %dma_start3A_394 = tpu.memref_slice %arg7[%add3A_392, %dma_start3A_393] : memref<512x64xf32, #tpu.memory_space<vmem>> -> memref<1x64xf32, #tpu.memory_space<vmem>>
      %dma_start3A_395 = tpu.memref_squeeze %dma_start3A_394 : memref<1x64xf32, #tpu.memory_space<vmem>> -> memref<64xf32, #tpu.memory_space<vmem>>
      %dma_start3A_396 = arith.constant 0 : i32
      %dma_start3A_397 = tpu.memref_slice %arg2[%squeeze3A_388, %dma_start3A_396] : memref<100000x64xf32, #tpu.memory_space<hbm>> -> memref<1x64xf32, #tpu.memory_space<hbm>>
      %dma_start3A_398 = tpu.memref_squeeze %dma_start3A_397 : memref<1x64xf32, #tpu.memory_space<hbm>> -> memref<64xf32, #tpu.memory_space<hbm>>
      %dma_start3A_399 = arith.constant 0 : i32
      %dma_start3A_400 = tpu.memref_slice %arg7[%add3A_392, %dma_start3A_399] : memref<512x64xf32, #tpu.memory_space<vmem>> -> memref<1x64xf32, #tpu.memory_space<vmem>>
      %dma_start3A_401 = tpu.memref_squeeze %dma_start3A_400 : memref<1x64xf32, #tpu.memory_space<vmem>> -> memref<64xf32, #tpu.memory_space<vmem>>
      %dma_start3A_402 = arith.constant 0 : i32
      %dma_start3A_403 = tpu.memref_slice %arg2[%squeeze3A_388, %dma_start3A_402] : memref<100000x64xf32, #tpu.memory_space<hbm>> -> memref<1x64xf32, #tpu.memory_space<hbm>>
      %dma_start3A_404 = tpu.memref_squeeze %dma_start3A_403 : memref<1x64xf32, #tpu.memory_space<hbm>> -> memref<64xf32, #tpu.memory_space<hbm>>
      tpu.enqueue_dma source(%dma_start3A_404 : memref<64xf32, #tpu.memory_space<hbm>>) target(%dma_start3A_401 : memref<64xf32, #tpu.memory_space<vmem>>) target_semaphore(%arg8 : memref<!tpu.dma_semaphore, #tpu.memory_space<semaphore_mem>>)
      %slice3A_405 = vector.extract_strided_slice %get3A_332 {offsets = [4], sizes = [1], strides = [1]} : vector<16xi32> to vector<1xi32>
      %squeeze3A_406 = vector.extract %slice3A_405[0] : i32 from vector<1xi32>
      %mul3A_407 = arith.constant 16 : i32
      %mul3A_408 = arith.muli %scan3A_327, %mul3A_407 : i32
      %add3A_409 = arith.constant 4 : i32
      %add3A_410 = arith.addi %mul3A_408, %add3A_409 : i32
      %dma_start3A_411 = arith.constant 0 : i32
      %dma_start3A_412 = tpu.memref_slice %arg7[%add3A_410, %dma_start3A_411] : memref<512x64xf32, #tpu.memory_space<vmem>> -> memref<1x64xf32, #tpu.memory_space<vmem>>
      %dma_start3A_413 = tpu.memref_squeeze %dma_start3A_412 : memref<1x64xf32, #tpu.memory_space<vmem>> -> memref<64xf32, #tpu.memory_space<vmem>>
      %dma_start3A_414 = arith.constant 0 : i32
      %dma_start3A_415 = tpu.memref_slice %arg2[%squeeze3A_406, %dma_start3A_414] : memref<100000x64xf32, #tpu.memory_space<hbm>> -> memref<1x64xf32, #tpu.memory_space<hbm>>
      %dma_start3A_416 = tpu.memref_squeeze %dma_start3A_415 : memref<1x64xf32, #tpu.memory_space<hbm>> -> memref<64xf32, #tpu.memory_space<hbm>>
      %dma_start3A_417 = arith.constant 0 : i32
      %dma_start3A_418 = tpu.memref_slice %arg7[%add3A_410, %dma_start3A_417] : memref<512x64xf32, #tpu.memory_space<vmem>> -> memref<1x64xf32, #tpu.memory_space<vmem>>
      %dma_start3A_419 = tpu.memref_squeeze %dma_start3A_418 : memref<1x64xf32, #tpu.memory_space<vmem>> -> memref<64xf32, #tpu.memory_space<vmem>>
      %dma_start3A_420 = arith.constant 0 : i32
      %dma_start3A_421 = tpu.memref_slice %arg2[%squeeze3A_406, %dma_start3A_420] : memref<100000x64xf32, #tpu.memory_space<hbm>> -> memref<1x64xf32, #tpu.memory_space<hbm>>
      %dma_start3A_422 = tpu.memref_squeeze %dma_start3A_421 : memref<1x64xf32, #tpu.memory_space<hbm>> -> memref<64xf32, #tpu.memory_space<hbm>>
      tpu.enqueue_dma source(%dma_start3A_422 : memref<64xf32, #tpu.memory_space<hbm>>) target(%dma_start3A_419 : memref<64xf32, #tpu.memory_space<vmem>>) target_semaphore(%arg8 : memref<!tpu.dma_semaphore, #tpu.memory_space<semaphore_mem>>)
      %slice3A_423 = vector.extract_strided_slice %get3A_332 {offsets = [5], sizes = [1], strides = [1]} : vector<16xi32> to vector<1xi32>
      %squeeze3A_424 = vector.extract %slice3A_423[0] : i32 from vector<1xi32>
      %mul3A_425 = arith.constant 16 : i32
      %mul3A_426 = arith.muli %scan3A_327, %mul3A_425 : i32
      %add3A_427 = arith.constant 5 : i32
      %add3A_428 = arith.addi %mul3A_426, %add3A_427 : i32
      %dma_start3A_429 = arith.constant 0 : i32
      %dma_start3A_430 = tpu.memref_slice %arg7[%add3A_428, %dma_start3A_429] : memref<512x64xf32, #tpu.memory_space<vmem>> -> memref<1x64xf32, #tpu.memory_space<vmem>>
      %dma_start3A_431 = tpu.memref_squeeze %dma_start3A_430 : memref<1x64xf32, #tpu.memory_space<vmem>> -> memref<64xf32, #tpu.memory_space<vmem>>
      %dma_start3A_432 = arith.constant 0 : i32
      %dma_start3A_433 = tpu.memref_slice %arg2[%squeeze3A_424, %dma_start3A_432] : memref<100000x64xf32, #tpu.memory_space<hbm>> -> memref<1x64xf32, #tpu.memory_space<hbm>>
      %dma_start3A_434 = tpu.memref_squeeze %dma_start3A_433 : memref<1x64xf32, #tpu.memory_space<hbm>> -> memref<64xf32, #tpu.memory_space<hbm>>
      %dma_start3A_435 = arith.constant 0 : i32
      %dma_start3A_436 = tpu.memref_slice %arg7[%add3A_428, %dma_start3A_435] : memref<512x64xf32, #tpu.memory_space<vmem>> -> memref<1x64xf32, #tpu.memory_space<vmem>>
      %dma_start3A_437 = tpu.memref_squeeze %dma_start3A_436 : memref<1x64xf32, #tpu.memory_space<vmem>> -> memref<64xf32, #tpu.memory_space<vmem>>
      %dma_start3A_438 = arith.constant 0 : i32
      %dma_start3A_439 = tpu.memref_slice %arg2[%squeeze3A_424, %dma_start3A_438] : memref<100000x64xf32, #tpu.memory_space<hbm>> -> memref<1x64xf32, #tpu.memory_space<hbm>>
      %dma_start3A_440 = tpu.memref_squeeze %dma_start3A_439 : memref<1x64xf32, #tpu.memory_space<hbm>> -> memref<64xf32, #tpu.memory_space<hbm>>
      tpu.enqueue_dma source(%dma_start3A_440 : memref<64xf32, #tpu.memory_space<hbm>>) target(%dma_start3A_437 : memref<64xf32, #tpu.memory_space<vmem>>) target_semaphore(%arg8 : memref<!tpu.dma_semaphore, #tpu.memory_space<semaphore_mem>>)
      %slice3A_441 = vector.extract_strided_slice %get3A_332 {offsets = [6], sizes = [1], strides = [1]} : vector<16xi32> to vector<1xi32>
      %squeeze3A_442 = vector.extract %slice3A_441[0] : i32 from vector<1xi32>
      %mul3A_443 = arith.constant 16 : i32
      %mul3A_444 = arith.muli %scan3A_327, %mul3A_443 : i32
      %add3A_445 = arith.constant 6 : i32
      %add3A_446 = arith.addi %mul3A_444, %add3A_445 : i32
      %dma_start3A_447 = arith.constant 0 : i32
      %dma_start3A_448 = tpu.memref_slice %arg7[%add3A_446, %dma_start3A_447] : memref<512x64xf32, #tpu.memory_space<vmem>> -> memref<1x64xf32, #tpu.memory_space<vmem>>
      %dma_start3A_449 = tpu.memref_squeeze %dma_start3A_448 : memref<1x64xf32, #tpu.memory_space<vmem>> -> memref<64xf32, #tpu.memory_space<vmem>>
      %dma_start3A_450 = arith.constant 0 : i32
      %dma_start3A_451 = tpu.memref_slice %arg2[%squeeze3A_442, %dma_start3A_450] : memref<100000x64xf32, #tpu.memory_space<hbm>> -> memref<1x64xf32, #tpu.memory_space<hbm>>
      %dma_start3A_452 = tpu.memref_squeeze %dma_start3A_451 : memref<1x64xf32, #tpu.memory_space<hbm>> -> memref<64xf32, #tpu.memory_space<hbm>>
      %dma_start3A_453 = arith.constant 0 : i32
      %dma_start3A_454 = tpu.memref_slice %arg7[%add3A_446, %dma_start3A_453] : memref<512x64xf32, #tpu.memory_space<vmem>> -> memref<1x64xf32, #tpu.memory_space<vmem>>
      %dma_start3A_455 = tpu.memref_squeeze %dma_start3A_454 : memref<1x64xf32, #tpu.memory_space<vmem>> -> memref<64xf32, #tpu.memory_space<vmem>>
      %dma_start3A_456 = arith.constant 0 : i32
      %dma_start3A_457 = tpu.memref_slice %arg2[%squeeze3A_442, %dma_start3A_456] : memref<100000x64xf32, #tpu.memory_space<hbm>> -> memref<1x64xf32, #tpu.memory_space<hbm>>
      %dma_start3A_458 = tpu.memref_squeeze %dma_start3A_457 : memref<1x64xf32, #tpu.memory_space<hbm>> -> memref<64xf32, #tpu.memory_space<hbm>>
      tpu.enqueue_dma source(%dma_start3A_458 : memref<64xf32, #tpu.memory_space<hbm>>) target(%dma_start3A_455 : memref<64xf32, #tpu.memory_space<vmem>>) target_semaphore(%arg8 : memref<!tpu.dma_semaphore, #tpu.memory_space<semaphore_mem>>)
      %slice3A_459 = vector.extract_strided_slice %get3A_332 {offsets = [7], sizes = [1], strides = [1]} : vector<16xi32> to vector<1xi32>
      %squeeze3A_460 = vector.extract %slice3A_459[0] : i32 from vector<1xi32>
      %mul3A_461 = arith.constant 16 : i32
      %mul3A_462 = arith.muli %scan3A_327, %mul3A_461 : i32
      %add3A_463 = arith.constant 7 : i32
      %add3A_464 = arith.addi %mul3A_462, %add3A_463 : i32
      %dma_start3A_465 = arith.constant 0 : i32
      %dma_start3A_466 = tpu.memref_slice %arg7[%add3A_464, %dma_start3A_465] : memref<512x64xf32, #tpu.memory_space<vmem>> -> memref<1x64xf32, #tpu.memory_space<vmem>>
      %dma_start3A_467 = tpu.memref_squeeze %dma_start3A_466 : memref<1x64xf32, #tpu.memory_space<vmem>> -> memref<64xf32, #tpu.memory_space<vmem>>
      %dma_start3A_468 = arith.constant 0 : i32
      %dma_start3A_469 = tpu.memref_slice %arg2[%squeeze3A_460, %dma_start3A_468] : memref<100000x64xf32, #tpu.memory_space<hbm>> -> memref<1x64xf32, #tpu.memory_space<hbm>>
      %dma_start3A_470 = tpu.memref_squeeze %dma_start3A_469 : memref<1x64xf32, #tpu.memory_space<hbm>> -> memref<64xf32, #tpu.memory_space<hbm>>
      %dma_start3A_471 = arith.constant 0 : i32
      %dma_start3A_472 = tpu.memref_slice %arg7[%add3A_464, %dma_start3A_471] : memref<512x64xf32, #tpu.memory_space<vmem>> -> memref<1x64xf32, #tpu.memory_space<vmem>>
      %dma_start3A_473 = tpu.memref_squeeze %dma_start3A_472 : memref<1x64xf32, #tpu.memory_space<vmem>> -> memref<64xf32, #tpu.memory_space<vmem>>
      %dma_start3A_474 = arith.constant 0 : i32
      %dma_start3A_475 = tpu.memref_slice %arg2[%squeeze3A_460, %dma_start3A_474] : memref<100000x64xf32, #tpu.memory_space<hbm>> -> memref<1x64xf32, #tpu.memory_space<hbm>>
      %dma_start3A_476 = tpu.memref_squeeze %dma_start3A_475 : memref<1x64xf32, #tpu.memory_space<hbm>> -> memref<64xf32, #tpu.memory_space<hbm>>
      tpu.enqueue_dma source(%dma_start3A_476 : memref<64xf32, #tpu.memory_space<hbm>>) target(%dma_start3A_473 : memref<64xf32, #tpu.memory_space<vmem>>) target_semaphore(%arg8 : memref<!tpu.dma_semaphore, #tpu.memory_space<semaphore_mem>>)
      %slice3A_477 = vector.extract_strided_slice %get3A_332 {offsets = [8], sizes = [1], strides = [1]} : vector<16xi32> to vector<1xi32>
      %squeeze3A_478 = vector.extract %slice3A_477[0] : i32 from vector<1xi32>
      %mul3A_479 = arith.constant 16 : i32
      %mul3A_480 = arith.muli %scan3A_327, %mul3A_479 : i32
      %add3A_481 = arith.constant 8 : i32
      %add3A_482 = arith.addi %mul3A_480, %add3A_481 : i32
      %dma_start3A_483 = arith.constant 0 : i32
      %dma_start3A_484 = tpu.memref_slice %arg7[%add3A_482, %dma_start3A_483] : memref<512x64xf32, #tpu.memory_space<vmem>> -> memref<1x64xf32, #tpu.memory_space<vmem>>
      %dma_start3A_485 = tpu.memref_squeeze %dma_start3A_484 : memref<1x64xf32, #tpu.memory_space<vmem>> -> memref<64xf32, #tpu.memory_space<vmem>>
      %dma_start3A_486 = arith.constant 0 : i32
      %dma_start3A_487 = tpu.memref_slice %arg2[%squeeze3A_478, %dma_start3A_486] : memref<100000x64xf32, #tpu.memory_space<hbm>> -> memref<1x64xf32, #tpu.memory_space<hbm>>
      %dma_start3A_488 = tpu.memref_squeeze %dma_start3A_487 : memref<1x64xf32, #tpu.memory_space<hbm>> -> memref<64xf32, #tpu.memory_space<hbm>>
      %dma_start3A_489 = arith.constant 0 : i32
      %dma_start3A_490 = tpu.memref_slice %arg7[%add3A_482, %dma_start3A_489] : memref<512x64xf32, #tpu.memory_space<vmem>> -> memref<1x64xf32, #tpu.memory_space<vmem>>
      %dma_start3A_491 = tpu.memref_squeeze %dma_start3A_490 : memref<1x64xf32, #tpu.memory_space<vmem>> -> memref<64xf32, #tpu.memory_space<vmem>>
      %dma_start3A_492 = arith.constant 0 : i32
      %dma_start3A_493 = tpu.memref_slice %arg2[%squeeze3A_478, %dma_start3A_492] : memref<100000x64xf32, #tpu.memory_space<hbm>> -> memref<1x64xf32, #tpu.memory_space<hbm>>
      %dma_start3A_494 = tpu.memref_squeeze %dma_start3A_493 : memref<1x64xf32, #tpu.memory_space<hbm>> -> memref<64xf32, #tpu.memory_space<hbm>>
      tpu.enqueue_dma source(%dma_start3A_494 : memref<64xf32, #tpu.memory_space<hbm>>) target(%dma_start3A_491 : memref<64xf32, #tpu.memory_space<vmem>>) target_semaphore(%arg8 : memref<!tpu.dma_semaphore, #tpu.memory_space<semaphore_mem>>)
      %slice3A_495 = vector.extract_strided_slice %get3A_332 {offsets = [9], sizes = [1], strides = [1]} : vector<16xi32> to vector<1xi32>
      %squeeze3A_496 = vector.extract %slice3A_495[0] : i32 from vector<1xi32>
      %mul3A_497 = arith.constant 16 : i32
      %mul3A_498 = arith.muli %scan3A_327, %mul3A_497 : i32
      %add3A_499 = arith.constant 9 : i32
      %add3A_500 = arith.addi %mul3A_498, %add3A_499 : i32
      %dma_start3A_501 = arith.constant 0 : i32
      %dma_start3A_502 = tpu.memref_slice %arg7[%add3A_500, %dma_start3A_501] : memref<512x64xf32, #tpu.memory_space<vmem>> -> memref<1x64xf32, #tpu.memory_space<vmem>>
      %dma_start3A_503 = tpu.memref_squeeze %dma_start3A_502 : memref<1x64xf32, #tpu.memory_space<vmem>> -> memref<64xf32, #tpu.memory_space<vmem>>
      %dma_start3A_504 = arith.constant 0 : i32
      %dma_start3A_505 = tpu.memref_slice %arg2[%squeeze3A_496, %dma_start3A_504] : memref<100000x64xf32, #tpu.memory_space<hbm>> -> memref<1x64xf32, #tpu.memory_space<hbm>>
      %dma_start3A_506 = tpu.memref_squeeze %dma_start3A_505 : memref<1x64xf32, #tpu.memory_space<hbm>> -> memref<64xf32, #tpu.memory_space<hbm>>
      %dma_start3A_507 = arith.constant 0 : i32
      %dma_start3A_508 = tpu.memref_slice %arg7[%add3A_500, %dma_start3A_507] : memref<512x64xf32, #tpu.memory_space<vmem>> -> memref<1x64xf32, #tpu.memory_space<vmem>>
      %dma_start3A_509 = tpu.memref_squeeze %dma_start3A_508 : memref<1x64xf32, #tpu.memory_space<vmem>> -> memref<64xf32, #tpu.memory_space<vmem>>
      %dma_start3A_510 = arith.constant 0 : i32
      %dma_start3A_511 = tpu.memref_slice %arg2[%squeeze3A_496, %dma_start3A_510] : memref<100000x64xf32, #tpu.memory_space<hbm>> -> memref<1x64xf32, #tpu.memory_space<hbm>>
      %dma_start3A_512 = tpu.memref_squeeze %dma_start3A_511 : memref<1x64xf32, #tpu.memory_space<hbm>> -> memref<64xf32, #tpu.memory_space<hbm>>
      tpu.enqueue_dma source(%dma_start3A_512 : memref<64xf32, #tpu.memory_space<hbm>>) target(%dma_start3A_509 : memref<64xf32, #tpu.memory_space<vmem>>) target_semaphore(%arg8 : memref<!tpu.dma_semaphore, #tpu.memory_space<semaphore_mem>>)
      %slice3A_513 = vector.extract_strided_slice %get3A_332 {offsets = [10], sizes = [1], strides = [1]} : vector<16xi32> to vector<1xi32>
      %squeeze3A_514 = vector.extract %slice3A_513[0] : i32 from vector<1xi32>
      %mul3A_515 = arith.constant 16 : i32
      %mul3A_516 = arith.muli %scan3A_327, %mul3A_515 : i32
      %add3A_517 = arith.constant 10 : i32
      %add3A_518 = arith.addi %mul3A_516, %add3A_517 : i32
      %dma_start3A_519 = arith.constant 0 : i32
      %dma_start3A_520 = tpu.memref_slice %arg7[%add3A_518, %dma_start3A_519] : memref<512x64xf32, #tpu.memory_space<vmem>> -> memref<1x64xf32, #tpu.memory_space<vmem>>
      %dma_start3A_521 = tpu.memref_squeeze %dma_start3A_520 : memref<1x64xf32, #tpu.memory_space<vmem>> -> memref<64xf32, #tpu.memory_space<vmem>>
      %dma_start3A_522 = arith.constant 0 : i32
      %dma_start3A_523 = tpu.memref_slice %arg2[%squeeze3A_514, %dma_start3A_522] : memref<100000x64xf32, #tpu.memory_space<hbm>> -> memref<1x64xf32, #tpu.memory_space<hbm>>
      %dma_start3A_524 = tpu.memref_squeeze %dma_start3A_523 : memref<1x64xf32, #tpu.memory_space<hbm>> -> memref<64xf32, #tpu.memory_space<hbm>>
      %dma_start3A_525 = arith.constant 0 : i32
      %dma_start3A_526 = tpu.memref_slice %arg7[%add3A_518, %dma_start3A_525] : memref<512x64xf32, #tpu.memory_space<vmem>> -> memref<1x64xf32, #tpu.memory_space<vmem>>
      %dma_start3A_527 = tpu.memref_squeeze %dma_start3A_526 : memref<1x64xf32, #tpu.memory_space<vmem>> -> memref<64xf32, #tpu.memory_space<vmem>>
      %dma_start3A_528 = arith.constant 0 : i32
      %dma_start3A_529 = tpu.memref_slice %arg2[%squeeze3A_514, %dma_start3A_528] : memref<100000x64xf32, #tpu.memory_space<hbm>> -> memref<1x64xf32, #tpu.memory_space<hbm>>
      %dma_start3A_530 = tpu.memref_squeeze %dma_start3A_529 : memref<1x64xf32, #tpu.memory_space<hbm>> -> memref<64xf32, #tpu.memory_space<hbm>>
      tpu.enqueue_dma source(%dma_start3A_530 : memref<64xf32, #tpu.memory_space<hbm>>) target(%dma_start3A_527 : memref<64xf32, #tpu.memory_space<vmem>>) target_semaphore(%arg8 : memref<!tpu.dma_semaphore, #tpu.memory_space<semaphore_mem>>)
      %slice3A_531 = vector.extract_strided_slice %get3A_332 {offsets = [11], sizes = [1], strides = [1]} : vector<16xi32> to vector<1xi32>
      %squeeze3A_532 = vector.extract %slice3A_531[0] : i32 from vector<1xi32>
      %mul3A_533 = arith.constant 16 : i32
      %mul3A_534 = arith.muli %scan3A_327, %mul3A_533 : i32
      %add3A_535 = arith.constant 11 : i32
      %add3A_536 = arith.addi %mul3A_534, %add3A_535 : i32
      %dma_start3A_537 = arith.constant 0 : i32
      %dma_start3A_538 = tpu.memref_slice %arg7[%add3A_536, %dma_start3A_537] : memref<512x64xf32, #tpu.memory_space<vmem>> -> memref<1x64xf32, #tpu.memory_space<vmem>>
      %dma_start3A_539 = tpu.memref_squeeze %dma_start3A_538 : memref<1x64xf32, #tpu.memory_space<vmem>> -> memref<64xf32, #tpu.memory_space<vmem>>
      %dma_start3A_540 = arith.constant 0 : i32
      %dma_start3A_541 = tpu.memref_slice %arg2[%squeeze3A_532, %dma_start3A_540] : memref<100000x64xf32, #tpu.memory_space<hbm>> -> memref<1x64xf32, #tpu.memory_space<hbm>>
      %dma_start3A_542 = tpu.memref_squeeze %dma_start3A_541 : memref<1x64xf32, #tpu.memory_space<hbm>> -> memref<64xf32, #tpu.memory_space<hbm>>
      %dma_start3A_543 = arith.constant 0 : i32
      %dma_start3A_544 = tpu.memref_slice %arg7[%add3A_536, %dma_start3A_543] : memref<512x64xf32, #tpu.memory_space<vmem>> -> memref<1x64xf32, #tpu.memory_space<vmem>>
      %dma_start3A_545 = tpu.memref_squeeze %dma_start3A_544 : memref<1x64xf32, #tpu.memory_space<vmem>> -> memref<64xf32, #tpu.memory_space<vmem>>
      %dma_start3A_546 = arith.constant 0 : i32
      %dma_start3A_547 = tpu.memref_slice %arg2[%squeeze3A_532, %dma_start3A_546] : memref<100000x64xf32, #tpu.memory_space<hbm>> -> memref<1x64xf32, #tpu.memory_space<hbm>>
      %dma_start3A_548 = tpu.memref_squeeze %dma_start3A_547 : memref<1x64xf32, #tpu.memory_space<hbm>> -> memref<64xf32, #tpu.memory_space<hbm>>
      tpu.enqueue_dma source(%dma_start3A_548 : memref<64xf32, #tpu.memory_space<hbm>>) target(%dma_start3A_545 : memref<64xf32, #tpu.memory_space<vmem>>) target_semaphore(%arg8 : memref<!tpu.dma_semaphore, #tpu.memory_space<semaphore_mem>>)
      %slice3A_549 = vector.extract_strided_slice %get3A_332 {offsets = [12], sizes = [1], strides = [1]} : vector<16xi32> to vector<1xi32>
      %squeeze3A_550 = vector.extract %slice3A_549[0] : i32 from vector<1xi32>
      %mul3A_551 = arith.constant 16 : i32
      %mul3A_552 = arith.muli %scan3A_327, %mul3A_551 : i32
      %add3A_553 = arith.constant 12 : i32
      %add3A_554 = arith.addi %mul3A_552, %add3A_553 : i32
      %dma_start3A_555 = arith.constant 0 : i32
      %dma_start3A_556 = tpu.memref_slice %arg7[%add3A_554, %dma_start3A_555] : memref<512x64xf32, #tpu.memory_space<vmem>> -> memref<1x64xf32, #tpu.memory_space<vmem>>
      %dma_start3A_557 = tpu.memref_squeeze %dma_start3A_556 : memref<1x64xf32, #tpu.memory_space<vmem>> -> memref<64xf32, #tpu.memory_space<vmem>>
      %dma_start3A_558 = arith.constant 0 : i32
      %dma_start3A_559 = tpu.memref_slice %arg2[%squeeze3A_550, %dma_start3A_558] : memref<100000x64xf32, #tpu.memory_space<hbm>> -> memref<1x64xf32, #tpu.memory_space<hbm>>
      %dma_start3A_560 = tpu.memref_squeeze %dma_start3A_559 : memref<1x64xf32, #tpu.memory_space<hbm>> -> memref<64xf32, #tpu.memory_space<hbm>>
      %dma_start3A_561 = arith.constant 0 : i32
      %dma_start3A_562 = tpu.memref_slice %arg7[%add3A_554, %dma_start3A_561] : memref<512x64xf32, #tpu.memory_space<vmem>> -> memref<1x64xf32, #tpu.memory_space<vmem>>
      %dma_start3A_563 = tpu.memref_squeeze %dma_start3A_562 : memref<1x64xf32, #tpu.memory_space<vmem>> -> memref<64xf32, #tpu.memory_space<vmem>>
      %dma_start3A_564 = arith.constant 0 : i32
      %dma_start3A_565 = tpu.memref_slice %arg2[%squeeze3A_550, %dma_start3A_564] : memref<100000x64xf32, #tpu.memory_space<hbm>> -> memref<1x64xf32, #tpu.memory_space<hbm>>
      %dma_start3A_566 = tpu.memref_squeeze %dma_start3A_565 : memref<1x64xf32, #tpu.memory_space<hbm>> -> memref<64xf32, #tpu.memory_space<hbm>>
      tpu.enqueue_dma source(%dma_start3A_566 : memref<64xf32, #tpu.memory_space<hbm>>) target(%dma_start3A_563 : memref<64xf32, #tpu.memory_space<vmem>>) target_semaphore(%arg8 : memref<!tpu.dma_semaphore, #tpu.memory_space<semaphore_mem>>)
      %slice3A_567 = vector.extract_strided_slice %get3A_332 {offsets = [13], sizes = [1], strides = [1]} : vector<16xi32> to vector<1xi32>
      %squeeze3A_568 = vector.extract %slice3A_567[0] : i32 from vector<1xi32>
      %mul3A_569 = arith.constant 16 : i32
      %mul3A_570 = arith.muli %scan3A_327, %mul3A_569 : i32
      %add3A_571 = arith.constant 13 : i32
      %add3A_572 = arith.addi %mul3A_570, %add3A_571 : i32
      %dma_start3A_573 = arith.constant 0 : i32
      %dma_start3A_574 = tpu.memref_slice %arg7[%add3A_572, %dma_start3A_573] : memref<512x64xf32, #tpu.memory_space<vmem>> -> memref<1x64xf32, #tpu.memory_space<vmem>>
      %dma_start3A_575 = tpu.memref_squeeze %dma_start3A_574 : memref<1x64xf32, #tpu.memory_space<vmem>> -> memref<64xf32, #tpu.memory_space<vmem>>
      %dma_start3A_576 = arith.constant 0 : i32
      %dma_start3A_577 = tpu.memref_slice %arg2[%squeeze3A_568, %dma_start3A_576] : memref<100000x64xf32, #tpu.memory_space<hbm>> -> memref<1x64xf32, #tpu.memory_space<hbm>>
      %dma_start3A_578 = tpu.memref_squeeze %dma_start3A_577 : memref<1x64xf32, #tpu.memory_space<hbm>> -> memref<64xf32, #tpu.memory_space<hbm>>
      %dma_start3A_579 = arith.constant 0 : i32
      %dma_start3A_580 = tpu.memref_slice %arg7[%add3A_572, %dma_start3A_579] : memref<512x64xf32, #tpu.memory_space<vmem>> -> memref<1x64xf32, #tpu.memory_space<vmem>>
      %dma_start3A_581 = tpu.memref_squeeze %dma_start3A_580 : memref<1x64xf32, #tpu.memory_space<vmem>> -> memref<64xf32, #tpu.memory_space<vmem>>
      %dma_start3A_582 = arith.constant 0 : i32
      %dma_start3A_583 = tpu.memref_slice %arg2[%squeeze3A_568, %dma_start3A_582] : memref<100000x64xf32, #tpu.memory_space<hbm>> -> memref<1x64xf32, #tpu.memory_space<hbm>>
      %dma_start3A_584 = tpu.memref_squeeze %dma_start3A_583 : memref<1x64xf32, #tpu.memory_space<hbm>> -> memref<64xf32, #tpu.memory_space<hbm>>
      tpu.enqueue_dma source(%dma_start3A_584 : memref<64xf32, #tpu.memory_space<hbm>>) target(%dma_start3A_581 : memref<64xf32, #tpu.memory_space<vmem>>) target_semaphore(%arg8 : memref<!tpu.dma_semaphore, #tpu.memory_space<semaphore_mem>>)
      %slice3A_585 = vector.extract_strided_slice %get3A_332 {offsets = [14], sizes = [1], strides = [1]} : vector<16xi32> to vector<1xi32>
      %squeeze3A_586 = vector.extract %slice3A_585[0] : i32 from vector<1xi32>
      %mul3A_587 = arith.constant 16 : i32
      %mul3A_588 = arith.muli %scan3A_327, %mul3A_587 : i32
      %add3A_589 = arith.constant 14 : i32
      %add3A_590 = arith.addi %mul3A_588, %add3A_589 : i32
      %dma_start3A_591 = arith.constant 0 : i32
      %dma_start3A_592 = tpu.memref_slice %arg7[%add3A_590, %dma_start3A_591] : memref<512x64xf32, #tpu.memory_space<vmem>> -> memref<1x64xf32, #tpu.memory_space<vmem>>
      %dma_start3A_593 = tpu.memref_squeeze %dma_start3A_592 : memref<1x64xf32, #tpu.memory_space<vmem>> -> memref<64xf32, #tpu.memory_space<vmem>>
      %dma_start3A_594 = arith.constant 0 : i32
      %dma_start3A_595 = tpu.memref_slice %arg2[%squeeze3A_586, %dma_start3A_594] : memref<100000x64xf32, #tpu.memory_space<hbm>> -> memref<1x64xf32, #tpu.memory_space<hbm>>
      %dma_start3A_596 = tpu.memref_squeeze %dma_start3A_595 : memref<1x64xf32, #tpu.memory_space<hbm>> -> memref<64xf32, #tpu.memory_space<hbm>>
      %dma_start3A_597 = arith.constant 0 : i32
      %dma_start3A_598 = tpu.memref_slice %arg7[%add3A_590, %dma_start3A_597] : memref<512x64xf32, #tpu.memory_space<vmem>> -> memref<1x64xf32, #tpu.memory_space<vmem>>
      %dma_start3A_599 = tpu.memref_squeeze %dma_start3A_598 : memref<1x64xf32, #tpu.memory_space<vmem>> -> memref<64xf32, #tpu.memory_space<vmem>>
      %dma_start3A_600 = arith.constant 0 : i32
      %dma_start3A_601 = tpu.memref_slice %arg2[%squeeze3A_586, %dma_start3A_600] : memref<100000x64xf32, #tpu.memory_space<hbm>> -> memref<1x64xf32, #tpu.memory_space<hbm>>
      %dma_start3A_602 = tpu.memref_squeeze %dma_start3A_601 : memref<1x64xf32, #tpu.memory_space<hbm>> -> memref<64xf32, #tpu.memory_space<hbm>>
      tpu.enqueue_dma source(%dma_start3A_602 : memref<64xf32, #tpu.memory_space<hbm>>) target(%dma_start3A_599 : memref<64xf32, #tpu.memory_space<vmem>>) target_semaphore(%arg8 : memref<!tpu.dma_semaphore, #tpu.memory_space<semaphore_mem>>)
      %slice3A_603 = vector.extract_strided_slice %get3A_332 {offsets = [15], sizes = [1], strides = [1]} : vector<16xi32> to vector<1xi32>
      %squeeze3A_604 = vector.extract %slice3A_603[0] : i32 from vector<1xi32>
      %mul3A_605 = arith.constant 16 : i32
      %mul3A_606 = arith.muli %scan3A_327, %mul3A_605 : i32
      %add3A_607 = arith.constant 15 : i32
      %add3A_608 = arith.addi %mul3A_606, %add3A_607 : i32
      %dma_start3A_609 = arith.constant 0 : i32
      %dma_start3A_610 = tpu.memref_slice %arg7[%add3A_608, %dma_start3A_609] : memref<512x64xf32, #tpu.memory_space<vmem>> -> memref<1x64xf32, #tpu.memory_space<vmem>>
      %dma_start3A_611 = tpu.memref_squeeze %dma_start3A_610 : memref<1x64xf32, #tpu.memory_space<vmem>> -> memref<64xf32, #tpu.memory_space<vmem>>
      %dma_start3A_612 = arith.constant 0 : i32
      %dma_start3A_613 = tpu.memref_slice %arg2[%squeeze3A_604, %dma_start3A_612] : memref<100000x64xf32, #tpu.memory_space<hbm>> -> memref<1x64xf32, #tpu.memory_space<hbm>>
      %dma_start3A_614 = tpu.memref_squeeze %dma_start3A_613 : memref<1x64xf32, #tpu.memory_space<hbm>> -> memref<64xf32, #tpu.memory_space<hbm>>
      %dma_start3A_615 = arith.constant 0 : i32
      %dma_start3A_616 = tpu.memref_slice %arg7[%add3A_608, %dma_start3A_615] : memref<512x64xf32, #tpu.memory_space<vmem>> -> memref<1x64xf32, #tpu.memory_space<vmem>>
      %dma_start3A_617 = tpu.memref_squeeze %dma_start3A_616 : memref<1x64xf32, #tpu.memory_space<vmem>> -> memref<64xf32, #tpu.memory_space<vmem>>
      %dma_start3A_618 = arith.constant 0 : i32
      %dma_start3A_619 = tpu.memref_slice %arg2[%squeeze3A_604, %dma_start3A_618] : memref<100000x64xf32, #tpu.memory_space<hbm>> -> memref<1x64xf32, #tpu.memory_space<hbm>>
      %dma_start3A_620 = tpu.memref_squeeze %dma_start3A_619 : memref<1x64xf32, #tpu.memory_space<hbm>> -> memref<64xf32, #tpu.memory_space<hbm>>
      tpu.enqueue_dma source(%dma_start3A_620 : memref<64xf32, #tpu.memory_space<hbm>>) target(%dma_start3A_617 : memref<64xf32, #tpu.memory_space<vmem>>) target_semaphore(%arg8 : memref<!tpu.dma_semaphore, #tpu.memory_space<semaphore_mem>>)
      %dma_wait3A_621 = arith.constant 0 : i32
      %dma_wait3A_622 = arith.constant 0 : i32
      %dma_wait3A_623 = tpu.memref_slice %arg7[%dma_wait3A_621, %dma_wait3A_622] : memref<512x64xf32, #tpu.memory_space<vmem>> -> memref<16x64xf32, #tpu.memory_space<vmem>>
      %dma_wait3A_624 = arith.constant 0 : i32
      %dma_wait3A_625 = arith.constant 0 : i32
      %dma_wait3A_626 = tpu.memref_slice %arg2[%dma_wait3A_624, %dma_wait3A_625] : memref<100000x64xf32, #tpu.memory_space<hbm>> -> memref<16x64xf32, #tpu.memory_space<hbm>>
      %dma_wait3A_627 = arith.constant 0 : i32
      %dma_wait3A_628 = arith.constant 0 : i32
      %dma_wait3A_629 = tpu.memref_slice %arg7[%dma_wait3A_627, %dma_wait3A_628] : memref<512x64xf32, #tpu.memory_space<vmem>> -> memref<16x64xf32, #tpu.memory_space<vmem>>
      %dma_wait3A_630 = arith.constant 0 : i32
      %dma_wait3A_631 = arith.constant 0 : i32
      %dma_wait3A_632 = tpu.memref_slice %arg2[%dma_wait3A_630, %dma_wait3A_631] : memref<100000x64xf32, #tpu.memory_space<hbm>> -> memref<16x64xf32, #tpu.memory_space<hbm>>
      tpu.wait_dma2 semaphore(%arg8 : memref<!tpu.dma_semaphore, #tpu.memory_space<semaphore_mem>>) src(%dma_wait3A_632 : memref<16x64xf32, #tpu.memory_space<hbm>>) dst(%dma_wait3A_629 : memref<16x64xf32, #tpu.memory_space<vmem>>)
    }
    %scan3A_313 = arith.constant 31 : i32
    %dma_wait3A = arith.constant 0 : i32
    %dma_wait3A_314 = arith.constant 0 : i32
    %dma_wait3A_315 = tpu.memref_slice %arg7[%dma_wait3A, %dma_wait3A_314] : memref<512x64xf32, #tpu.memory_space<vmem>> -> memref<16x64xf32, #tpu.memory_space<vmem>>
    %dma_wait3A_316 = arith.constant 0 : i32
    %dma_wait3A_317 = arith.constant 0 : i32
    %dma_wait3A_318 = tpu.memref_slice %arg2[%dma_wait3A_316, %dma_wait3A_317] : memref<100000x64xf32, #tpu.memory_space<hbm>> -> memref<16x64xf32, #tpu.memory_space<hbm>>
    %dma_wait3A_319 = arith.constant 0 : i32
    %dma_wait3A_320 = arith.constant 0 : i32
    %dma_wait3A_321 = tpu.memref_slice %arg7[%dma_wait3A_319, %dma_wait3A_320] : memref<512x64xf32, #tpu.memory_space<vmem>> -> memref<16x64xf32, #tpu.memory_space<vmem>>
    %dma_wait3A_322 = arith.constant 0 : i32
    %dma_wait3A_323 = arith.constant 0 : i32
    %dma_wait3A_324 = tpu.memref_slice %arg2[%dma_wait3A_322, %dma_wait3A_323] : memref<100000x64xf32, #tpu.memory_space<hbm>> -> memref<16x64xf32, #tpu.memory_space<hbm>>
    tpu.wait_dma2 semaphore(%arg8 : memref<!tpu.dma_semaphore, #tpu.memory_space<semaphore_mem>>) src(%dma_wait3A_324 : memref<16x64xf32, #tpu.memory_space<hbm>>) dst(%dma_wait3A_321 : memref<16x64xf32, #tpu.memory_space<vmem>>)
    "tpu.region"() ({
      %run_scoped3A = tpu.sem_alloc : memref<!tpu.dma_semaphore, #tpu.memory_space<semaphore_mem>>
      %dma_start3A_327 = arith.constant 0 : i32
      %dma_start3A_328 = tpu.memref_slice %arg5[%mul3A_2, %dma_start3A_327] : memref<16384x64xf32, #tpu.memory_space<hbm>> -> memref<512x64xf32, #tpu.memory_space<hbm>>
      %dma_start3A_329 = arith.constant 0 : i32
      %dma_start3A_330 = tpu.memref_slice %arg5[%mul3A_2, %dma_start3A_329] : memref<16384x64xf32, #tpu.memory_space<hbm>> -> memref<512x64xf32, #tpu.memory_space<hbm>>
      tpu.enqueue_dma source(%arg7 : memref<512x64xf32, #tpu.memory_space<vmem>>) target(%dma_start3A_330 : memref<512x64xf32, #tpu.memory_space<hbm>>) target_semaphore(%run_scoped3A : memref<!tpu.dma_semaphore, #tpu.memory_space<semaphore_mem>>)
      %dma_wait3A_331 = arith.constant 0 : i32
      %dma_wait3A_332 = tpu.memref_slice %arg5[%mul3A_2, %dma_wait3A_331] : memref<16384x64xf32, #tpu.memory_space<hbm>> -> memref<512x64xf32, #tpu.memory_space<hbm>>
      %dma_wait3A_333 = arith.constant 0 : i32
      %dma_wait3A_334 = tpu.memref_slice %arg5[%mul3A_2, %dma_wait3A_333] : memref<16384x64xf32, #tpu.memory_space<hbm>> -> memref<512x64xf32, #tpu.memory_space<hbm>>
      tpu.wait_dma2 semaphore(%run_scoped3A : memref<!tpu.dma_semaphore, #tpu.memory_space<semaphore_mem>>) src(%arg7 : memref<512x64xf32, #tpu.memory_space<vmem>>) dst(%dma_wait3A_334 : memref<512x64xf32, #tpu.memory_space<hbm>>)
      tpu.yield
    }) : () -> ()
    %eq3A = arith.constant 0 : i32
    %eq3A_325 = arith.cmpi eq, %add3A, %eq3A : i32
    %convert_element_type3A = arith.extui %eq3A_325 : i1 to i32
    %cond3A = arith.constant 0 : i32
    %cond3A_326 = arith.cmpi ne, %convert_element_type3A, %cond3A : i32
    scf.if %cond3A_326 {
      "tpu.region"() ({
        %run_scoped3A = tpu.sem_alloc : memref<!tpu.dma_semaphore, #tpu.memory_space<semaphore_mem>>
        %dma_start3A_327 = arith.constant 0 : i32
        %dma_start3A_328 = arith.constant 0 : i32
        %dma_start3A_329 = tpu.memref_slice %arg5[%dma_start3A_327, %dma_start3A_328] : memref<16384x64xf32, #tpu.memory_space<hbm>> -> memref<8x64xf32, #tpu.memory_space<hbm>>
        tpu.enqueue_dma source(%arg4 : memref<8x64xf32, #tpu.memory_space<hbm>>) target(%dma_start3A_329 : memref<8x64xf32, #tpu.memory_space<hbm>>) target_semaphore(%run_scoped3A : memref<!tpu.dma_semaphore, #tpu.memory_space<semaphore_mem>>)
        %dma_wait3A_330 = arith.constant 0 : i32
        %dma_wait3A_331 = arith.constant 0 : i32
        %dma_wait3A_332 = tpu.memref_slice %arg5[%dma_wait3A_330, %dma_wait3A_331] : memref<16384x64xf32, #tpu.memory_space<hbm>> -> memref<8x64xf32, #tpu.memory_space<hbm>>
        tpu.wait_dma2 semaphore(%run_scoped3A : memref<!tpu.dma_semaphore, #tpu.memory_space<semaphore_mem>>) src(%arg4 : memref<8x64xf32, #tpu.memory_space<hbm>>) dst(%dma_wait3A_332 : memref<8x64xf32, #tpu.memory_space<hbm>>)
        tpu.yield
      }) : () -> ()
    } else {
    }
    return
  }
}

</mosaic_0001>

<sc_bundles>
// kernel: kernel.3.cloned.1.call-start
scs
__scs_entry_jumppad:
0x0: {  	(pc) =	sbr.rel $0x88, $3  }
0x1: {  	(tag) =	ssettag $0x0;
	lr =	simm.s32 $0x1  }
0x2: {  	[smem:$0x3F9F] =	sst lr;
	_ =	strace $0xD0000000  }
0x3: {  	_ = 	snop  }
0x4: {  	_ = 	snop  }
0x5: {  	_ = 	snop  }
0x6: {  	_ = 	snop  }
0x7: {  	_ = 	snop  }
__scs_overlays_trampoline_lowered:
0x8: {  	[smem:$0x3FAE] =	sst s0  }
0x9: {  	[smem:$0x3FAF] =	sst s1  }
0xa: {  	[smem:$0x3FB0] =	sst s2  }
0xb: {  	[smem:$0x3FB1] =	sst s3  }
0xc: {  	[smem:$0x3FB2] =	sst s4  }
0xd: {  	[smem:$0x3FB3] =	sst s5  }
0xe: {  	[smem:$0x3FB4] =	sst s6  }
0xf: {  	[smem:$0x3FB5] =	sst s7  }
0x10: {  	[smem:$0x3FB6] =	sst s8  }
0x11: {  	[smem:$0x3FB7] =	sst s9;
	s0 =	simm.s32 @!p0 $0x0  }
0x12: {  	s1 =	sld [smem:$0x3F9D];
	s0 =	simm.s32 @p0 $0x1  }
0x13: {  	[smem:$0x3FB8] =	sst s0;
	s0 =	simm.s32 @!p1 $0x0  }
0x14: {  	s2 =	sld [smem:$0x3F9C];
	s0 =	simm.s32 @p1 $0x1  }
0x15: {  	[smem:$0x3FB9] =	sst s0;
	s0 =	simm.s32 @!p2 $0x0  }
0x16: {  	s3 =	sld [smem:$0x3FDB];
	s0 =	simm.s32 @p2 $0x1  }
0x17: {  	s4 =	simm.s32 $0x1BF5;
	[smem:$0x3FBB] =	sst s0  }
0x18: {  	s0 =	sld [smem:$0x3F9E];
	_ =	swait.ge [sflag:s4], $0x0  }
0x19: {  	s7 =	sld [smem:$0x3F9F]  }
0x1a: {  	s8 =	sadd.s32 $0xFFFFE003, lr  }
0x1b: {  	s9 =	sadd.s32 $0xFFFFFEF7, lr;
	s5 =	simm.s32 $0xFFFFFFFF;
	p2 =	slt.u32 s8, $0xFFFFF086  }
0x1c: {  	p1 =	slt.u32 s9, $0xF7A;
	s5 =	simm.s32 @!p2 $0x0  }
0x1d: {  	s5 =	simm.s32 @p1 $0x1;
	p0 =	seq.s32 s7, s2  }
0x1e: {  	s7 =	smul.u32 @!p0 $0xF7A, s2;
	p2 =	seq.s32 @!p0 s5, $0x0  }
0x1f: {  	s9 =	smul.u32 $0xF7A, s1;
	s8 =	simm.s32 @!p0 $0x1BF5;
	p2 =	por !p2, p0  }
0x20: {  	[sflag:s8] =	ssyncset.s32 @!p0 $0xFFFFF086;
	s6 =	sadd.s32 @!p0 s3, s7;
	s7 =	simm.s32 @!p0 $0x108  }
0x21: {  	s3 =	sadd.s32 s3, s9;
	s6 =	sadd.s32 @!p0 $0x88, s6;
	s7 =	simm.s32 @p2 $0x1082  }
0x22: {  	[simem:s7], [sflag:s8] =	dma.local @!p0 [hbm:s6], $0xF7A  }
0x23: {  	s9 =	sor.u32 $0xD0000000, s2;
	s6 =	simm.s32 $0x108;
	_ =	swait.ge @!p0 [sflag:s8], $0x0  }
0x24: {  	s3 =	sadd.s32 $0x88, s3;
	s6 =	simm.s32 @!p1 $0x1082;
	[sflag:s4] =	ssyncset.s32 $0xFFFFF086  }
0x25: {  	[simem:s6], [sflag:s4] =	dma.local [hbm:s3], $0xF7A  }
0x26: {  	[smem:$0x3F9F] =	sst s1;
	(tag) =	ssettag s2;
	_ =	strace s9  }
0x27: {  	s1 =	sld [smem:$0x3FAF]  }
0x28: {  	s2 =	sld [smem:$0x3FB0]  }
0x29: {  	s4 =	sld [smem:$0x3FB2]  }
0x2a: {  	p0 =	seq.s32 s5, $0x0;
	s5 =	sld [smem:$0x3FB3]  }
0x2b: {  	s6 =	sld [smem:$0x3FB4]  }
0x2c: {  	s7 =	sld [smem:$0x3FB5]  }
0x2d: {  	s3 =	simm.s32 $0x108;
	s8 =	sld [smem:$0x3FB6]  }
0x2e: {  	s3 =	simm.s32 @!p0 $0x1082;
	s9 =	sld [smem:$0x3FB7]  }
0x2f: {  	lr =	sadd.s32 s0, s3;
	s0 =	sld [smem:$0x3FAE]  }
0x30: {  	s3 =	sld [smem:$0x3FB1]  }
0x31: {  	[smem:$0x3FBA] =	sst s10  }
0x32: {  	s10 =	sld [smem:$0x3FB8];
	_ =	sdelay $0x3  }
0x33: {  	p0 =	seq.s32 s10, $0x1;
	s10 =	sld [smem:$0x3FBA];
	_ =	sdelay $0x3  }
0x34: {  	[smem:$0x3FBA] =	sst s10  }
0x35: {  	s10 =	sld [smem:$0x3FB9];
	_ =	sdelay $0x3  }
0x36: {  	p1 =	seq.s32 s10, $0x1;
	s10 =	sld [smem:$0x3FBA];
	_ =	sdelay $0x3  }
0x37: {  	[smem:$0x3FBA] =	sst s10  }
0x38: {  	s10 =	sld [smem:$0x3FBB]  }
0x39: {  	_ = 	snop;
	(pc) =	sbr.ind lr, $3  }
0x3a: {  	_ = 	snop  }
0x3b: {  	_ = 	snop  }
0x3c: {  	p2 =	seq.s32 s10, $0x1;
	s10 =	sld [smem:$0x3FBA]  }
0x3d: {  	_ =	shalt  }
0x3e: {  	_ =	shalt  }
0x3f: {  	_ =	shalt  }
0x40: {  	_ =	shalt  }
0x41: {  	_ =	shalt  }
0x42: {  	_ =	shalt  }
0x43: {  	_ =	shalt  }
0x44: {  	_ =	shalt  }
0x45: {  	_ =	shalt  }
0x46: {  	_ =	shalt  }
0x47: {  	_ =	shalt  }
0x48: {  	_ =	shalt  }
0x49: {  	_ =	shalt  }
0x4a: {  	_ =	shalt  }
0x4b: {  	_ =	shalt  }
0x4c: {  	_ =	shalt  }
0x4d: {  	_ =	shalt  }
0x4e: {  	_ =	shalt  }
0x4f: {  	_ =	shalt  }
0x50: {  	_ =	shalt  }
0x51: {  	_ =	shalt  }
0x52: {  	_ =	shalt  }
0x53: {  	_ =	shalt  }
0x54: {  	_ =	shalt  }
0x55: {  	_ =	shalt  }
0x56: {  	_ =	shalt  }
0x57: {  	_ =	shalt  }
0x58: {  	_ =	shalt  }
0x59: {  	_ =	shalt  }
0x5a: {  	_ =	shalt  }
0x5b: {  	_ =	shalt  }
0x5c: {  	_ =	shalt  }
0x5d: {  	_ =	shalt  }
0x5e: {  	_ =	shalt  }
0x5f: {  	_ =	shalt  }
0x60: {  	_ =	shalt  }
0x61: {  	_ =	shalt  }
0x62: {  	_ =	shalt  }
0x63: {  	_ =	shalt  }
0x64: {  	_ =	shalt  }
0x65: {  	_ =	shalt  }
0x66: {  	_ =	shalt  }
0x67: {  	_ =	shalt  }
0x68: {  	_ =	shalt  }
0x69: {  	_ =	shalt  }
0x6a: {  	_ =	shalt  }
0x6b: {  	_ =	shalt  }
0x6c: {  	_ =	shalt  }
0x6d: {  	_ =	shalt  }
0x6e: {  	_ =	shalt  }
0x6f: {  	_ =	shalt  }
0x70: {  	_ =	shalt  }
0x71: {  	_ =	shalt  }
0x72: {  	_ =	shalt  }
0x73: {  	_ =	shalt  }
0x74: {  	_ =	shalt  }
0x75: {  	_ =	shalt  }
0x76: {  	_ =	shalt  }
0x77: {  	_ =	shalt  }
0x78: {  	_ =	shalt  }
0x79: {  	_ =	shalt  }
0x7a: {  	_ =	shalt  }
0x7b: {  	_ =	shalt  }
0x7c: {  	_ =	shalt  }
0x7d: {  	_ =	shalt  }
0x7e: {  	_ =	shalt  }
0x7f: {  	_ =	shalt  }
0x80: {  	_ =	shalt  }
0x81: {  	_ =	shalt  }
0x82: {  	_ =	shalt  }
0x83: {  	_ =	shalt  }
0x84: {  	_ =	shalt  }
0x85: {  	_ =	shalt  }
0x86: {  	_ =	shalt  }
0x87: {  	_ =	shalt  }
.Lfunc_end0:
.L_simem_size_0:
called_computation_lowered:
.L_overlay_start_0:
0x88: {  	s2 =	sld [smem:$0x3FD9]  }
0x89: {  	s3 =	sld [smem:$0x3FFE];
	_ =	sdelay $0x1  }
0x8a: {  	s1 =	srdreg.scid  }
0x8b: {  	s0 =	sand.u32 $0x1, s1  }
0x8c: {  	s17 =	sshll.u32 s0, $0xA;
	s2 =	sadd.s32 s3, s2  }
0x8d: {  	s2 =	sadd.s32 s2, s17  }
0x8e: {  	[smem:$0x3FC6] =	sst s2  }
0x8f: {  	_ = 	snop  }
0x90: {  	s2 =	sld [smem:$0x3FC9]  }
0x91: {  	s18 =	sld [smem:$0x3FD0];
	(tm) =	ssettm $0x1  }
0x92: {  	s4 =	sld [smem:$0x3FFB];
	_ =	sdelay $0x3  }
0x93: {  	_ =	strace s4  }
0x94: {  	s4 =	sld [smem:$0x3FFC];
	_ =	sdelay $0x3  }
0x95: {  	_ =	strace s4  }
0x96: {  	s4 =	sld [smem:$0x3FFD];
	_ =	sdelay $0x3  }
0x97: {  	_ =	strace s4  }
0x98: {  	_ =	strace $0x8FFFFFFF  }
0x99: {  	s19 =	sld [smem:$0x3FDB];
	_ =	sdelay $0x1  }
0x9a: {  	s5 =	simm.s32 $_scs_section_size  }
0x9b: {  	s6 =	simm.s32 $_size__tile_overlayer_lowered;
	s7 =	simm.s32 $_tile_overlayer_lowered  }
0x9c: {  	s22 =	simm.s32 $0x1BFF;
	s21 =	sshll.u32 s7, $0x1;
	s4 =	sadd.s32 s5, s19  }
0x9d: {  	s8 =	simm.s32 $0x0;
	s20 =	sshll.u32 s6, $0x1;
	s6 =	sadd.s32 s21, s4  }
0x9e: {  	[timem:s8], [sflag:s22] =	dma.local [hbm:s6], s20  }
0x9f: {  	_ =	swait.ge [sflag:s22], s20  }
0xa0: {  	s5 =	ssub.s32 $0x0, s20;
	[sflag:s22] =	ssyncset.done $0x0  }
0xa1: {  	[sflag:s22] =	ssyncadd.s32 s5;
	_ =	sdelay $0x1  }
0xa2: {  	s23 =	simm.s32 $0x1B8B  }
0xa3: {  	_ =	swait.ge [sflag:s23], $0x1  }
0xa4: {  	[sflag:s23] =	ssyncset.done $0x0  }
0xa5: {  	s25 =	simm.s32 $0x1B8E;
	s24 =	sld [smem:$0x3FFE];
	[sflag:s23] =	ssyncadd.s32 $0xFFFFFFFF  }
0xa6: {  	s26 =	simm.s32 $execute0_lowered;
	[smem:$0x3FD2] =	sst s25  }
0xa7: {  	s6 =	sshll.u32 s26, $0x1;
	_ =	strace $0x80000046;
	[dreg:$0x1] =	wrdreg $0xFFFFFFFF  }
0xa8: {  	s28 =	simm.s32 $_size_execute0_lowered;
	s4 =	sadd.s32 s4, s6;
	[dreg:$0x0] =	wrdreg $0x0  }
0xa9: {  	s6 =	sshll.u32 s28, $0x1;
	[dreg:$0x2] =	wrdreg s4  }
0xaa: {  	[dreg:$0x3] =	wrdreg s6  }
0xab: {  	[dreg:$0x4] =	wrdreg $0xC0  }
0xac: {  	_ =	task [dreg:s8], $0x5FFFF  }
0xad: {  	[dreg:$0x1] =	wrdreg $0xFFFFFFFF  }
0xae: {  	[dreg:$0x0] =	wrdreg $0x60  }
0xaf: {  	[dreg:$0x2] =	wrdreg s24  }
0xb0: {  	[dreg:$0x3] =	wrdreg s2  }
0xb1: {  	[dreg:$0x4] =	wrdreg s18  }
0xb2: {  	[dreg:$0x5] =	wrdreg $0x9  }
0xb3: {  	_ =	task.clear_ibuf [dreg:s8], $0x6FFFF;
	_ =	strace $0x90000046  }
0xb4: {  	s29 =	simm.s32 $0x9;
	_ =	strace $0x80000048  }
0xb5: {  	_ =	swait.ge [sflag:s29], $0x1  }
0xb6: {  	[sflag:s29] =	ssyncadd.s32 $0xFFFFFFFF  }
0xb7: {  	_ =	strace $0x90000048  }
0xb8: {  	_ =	sfence  }
0xb9: {  	s30 =	sld [smem:$0x0];
	_ =	sdelay $0x2  }
0xba: {  	s31 =	sshll.u32 s1, $0xD;
	s1 =	sshrl.u32 s1, $0x2  }
0xbb: {  	s3 =	sand.u32 $0x4000, s31;
	s1 =	sadd.s32 s1, s30  }
0xbc: {  	s0 =	sor.u32 s3, s0;
	s1 =	sshll.u32 s1, $0x11  }
0xbd: {  	s0 =	sor.u32 s1, s0  }
0xbe: {  	s0 =	sadd.s32 $0x8F2B, s0  }
0xbf: {  	[sflag:s0] =	ssyncadd.remote.s32 $0x1  }
0xc0: {  	_ =	sfence.sel $0xFFFF  }
0xc1: {  	[dreg:$0x0] =	wrdreg $0xFFFFFFFF;
	(pc) =	sbr.abs _section_cstart, $3  }
0xc2: {  	[dreg:$0x1] =	wrdreg $0xFFFFFFFF  }
0xc3: {  	_ =	task.clear_ibuf [dreg:s8], $0x2FFFF;
	_ =	strace $0x9FFFFFFF  }
0xc4: {  	(tm) =	ssettm $0x7FFFFFFF  }
0xc5: {  	_ =	shalt  }
tec
execute0_lowered:
.L_overlay_start_1:
0x0: {  	(tag) =	ssettag $0x1  }
0x1: {  	s0 =	rddreg [dreg:$0x0]  }
0x2: {  	s1 =	rddreg [dreg:$0x1]  }
0x3: {  	s3 =	simm.s32 $0x0;
	s2 =	srdreg.scid;
	s5 =	stileid.u32  }
0x4: {  	s9 =	simm.s32 $0x2;
	s10 =	simm.s32 $0x200;
	s25 =	simm.s32 $0x980  }
0x5: {  	s26 =	simm.s32 $0x1;
	s28 =	simm.s32 $0x0;
	[smem:$0x7FF] =	sst s3  }
0x6: {  	s4 =	sadd.s32 $0x600, s0;
	s2 =	sand.u32 $0x1, s2;
	s6 =	sshll.u32 s5, $0x1  }
0x7: {  	s5 =	sadd.s32 $0x187000, s0;
	s30 =	ssub.s32 $0x2, s2;
	s2 =	sor.u32 s2, s6  }
0x8: {  	_ =	strace $0x80000047;
	s31 =	sshrl.u32 s30, $0x1;
	s7 =	sshll.u32 s2, $0x6  }
0x9: {  	s8 =	sshll.u32 s2, $0xD;
	p0 =	sne.s32 s2, $0x0;
	s0 =	ssub.s32 s30, s31  }
0xa: {  	s6 =	sadd.s32 s1, s7;
	s7 =	sadd.s32 s5, s8;
	s8 =	smax.u32 s0, $0x1  }
.LBB2_1:
0xb: {  	[tilespmem:s3], [sflag:$0x2] =	stream.linear.gather [hbm4b:s6+s3], $0x200, $0x38;
	[tilespmem:$0x10200] =	vst v63  }
0xc: {  	_ =	swait.ge [sflag:s9], $0x200  }
0xd: {  	[sflag:s9] =	ssyncset.done $0x0  }
0xe: {  	[sflag:s9] =	ssyncadd.s32 $0xFFFFFE00  }
0xf: {  	v0 =	vld [tilespmem:$0x0];
	_ =	sdelay $0x4  }
0x10: {  	v0 =	vshll.u32 v0, $0x4  }
0x11: {  	(v2sf) =	vpush v0, $0x0;
	_ =	sdelay $0x6  }
0x12: {  	(v2sf) =	vpush v0, $0x1;
	_ =	sdelay $0x2  }
0x13: {  	(v2sf) =	vpush v0, $0x2;
	_ =	sdelay $0x2  }
0x14: {  	(v2sf) =	vpush v0, $0x3;
	_ =	sdelay $0x1  }
0x15: {  	s0 =	spop (v2sf);
	(v2sf) =	vpush v0, $0x4;
	_ =	sdelay $0x1  }
0x16: {  	(v2sf) =	vpush v0, $0x5;
	_ =	sdelay $0x1  }
0x17: {  	(v2sf) =	vpush v0, $0x6;
	_ =	sdelay $0x1  }
0x18: {  	s0 =	sand.u32 $0x1FFFFFF0, s0  }
0x19: {  	s12 =	spop (v2sf);
	s0 =	sadd.s32 s4, s0;
	(v2sf) =	vpush v0, $0x7  }
0x1a: {  	[tilespmem:s10], [sflag:$0x1] =	stream.linear.gather [hbm4b:s0+s3], $0x80, $0x38;
	[tilespmem:$0x10200] =	vst v63  }
0x1b: {  	s0 =	sand.u32 $0x1FFFFFF0, s12  }
0x1c: {  	s1 =	simm.s32 $0x280;
	s13 =	spop (v2sf);
	s0 =	sadd.s32 s4, s0  }
0x1d: {  	[tilespmem:s1], [sflag:$0x1] =	stream.linear.gather [hbm4b:s0+s3], $0x80, $0x38;
	[tilespmem:$0x10200] =	vst v63  }
0x1e: {  	s0 =	sand.u32 $0x1FFFFFF0, s13  }
0x1f: {  	s14 =	simm.s32 $0x300;
	s15 =	spop (v2sf);
	s0 =	sadd.s32 s4, s0  }
0x20: {  	[tilespmem:s14], [sflag:$0x1] =	stream.linear.gather [hbm4b:s0+s3], $0x80, $0x38;
	[tilespmem:$0x10200] =	vst v63  }
0x21: {  	s17 =	spop (v2sf);
	(v2sf) =	vpush v0, $0x8  }
0x22: {  	s0 =	sand.u32 $0x1FFFFFF0, s15  }
0x23: {  	s16 =	simm.s32 $0x380;
	s0 =	sadd.s32 s4, s0;
	s19 =	spop (v2sf);
	(v2sf) =	vpush v0, $0x9  }
0x24: {  	[tilespmem:s16], [sflag:$0x1] =	stream.linear.gather [hbm4b:s0+s3], $0x80, $0x38;
	[tilespmem:$0x10200] =	vst v63  }
0x25: {  	s0 =	sand.u32 $0x1FFFFFF0, s17;
	s21 =	spop (v2sf);
	(v2sf) =	vpush v0, $0xA  }
0x26: {  	s18 =	simm.s32 $0x400;
	s0 =	sadd.s32 s4, s0  }
0x27: {  	[tilespmem:s18], [sflag:$0x1] =	stream.linear.gather [hbm4b:s0+s3], $0x80, $0x38;
	[tilespmem:$0x10200] =	vst v63  }
0x28: {  	s23 =	spop (v2sf);
	(v2sf) =	vpush v0, $0xB  }
0x29: {  	s0 =	sand.u32 $0x1FFFFFF0, s19  }
0x2a: {  	s20 =	simm.s32 $0x480;
	s0 =	sadd.s32 s4, s0  }
0x2b: {  	[tilespmem:s20], [sflag:$0x1] =	stream.linear.gather [hbm4b:s0+s3], $0x80, $0x38;
	[tilespmem:$0x10200] =	vst v63  }
0x2c: {  	s0 =	sand.u32 $0x1FFFFFF0, s21  }
0x2d: {  	s22 =	simm.s32 $0x500;
	s0 =	sadd.s32 s4, s0  }
0x2e: {  	[tilespmem:s22], [sflag:$0x1] =	stream.linear.gather [hbm4b:s0+s3], $0x80, $0x38;
	[tilespmem:$0x10200] =	vst v63  }
0x2f: {  	s0 =	sand.u32 $0x1FFFFFF0, s23  }
0x30: {  	s24 =	simm.s32 $0x580;
	s0 =	sadd.s32 s4, s0;
	s2 =	spop (v2sf);
	(v2sf) =	vpush v0, $0xC  }
0x31: {  	[tilespmem:s24], [sflag:$0x1] =	stream.linear.gather [hbm4b:s0+s3], $0x80, $0x38;
	[tilespmem:$0x10200] =	vst v63  }
0x32: {  	s12 =	spop (v2sf);
	(v2sf) =	vpush v0, $0xD  }
0x33: {  	s0 =	sand.u32 $0x1FFFFFF0, s2  }
0x34: {  	s11 =	simm.s32 $0x600;
	s0 =	sadd.s32 s4, s0;
	s14 =	spop (v2sf)  }
0x35: {  	(v2sf) =	vpush v0, $0xE;
	[tilespmem:s11], [sflag:$0x1] =	stream.linear.gather [hbm4b:s0+s3], $0x80, $0x38;
	[tilespmem:$0x10200] =	vst v63  }
0x36: {  	s0 =	sand.u32 $0x1FFFFFF0, s12  }
0x37: {  	s13 =	simm.s32 $0x680;
	s16 =	spop (v2sf);
	s0 =	sadd.s32 s4, s0  }
0x38: {  	(v2sf) =	vpush v0, $0xF;
	[tilespmem:s13], [sflag:$0x1] =	stream.linear.gather [hbm4b:s0+s3], $0x80, $0x38;
	[tilespmem:$0x10200] =	vst v63  }
0x39: {  	s0 =	sand.u32 $0x1FFFFFF0, s14  }
0x3a: {  	s15 =	simm.s32 $0x700;
	s0 =	sadd.s32 s4, s0  }
0x3b: {  	[tilespmem:s15], [sflag:$0x1] =	stream.linear.gather [hbm4b:s0+s3], $0x80, $0x38;
	[tilespmem:$0x10200] =	vst v63  }
0x3c: {  	s0 =	sand.u32 $0x1FFFFFF0, s16  }
0x3d: {  	s17 =	simm.s32 $0x780;
	s0 =	sadd.s32 s4, s0  }
0x3e: {  	[tilespmem:s17], [sflag:$0x1] =	stream.linear.gather [hbm4b:s0+s3], $0x80, $0x38;
	[tilespmem:$0x10200] =	vst v63  }
0x3f: {  	s18 =	spop (v2sf)  }
0x40: {  	s0 =	sand.u32 $0x1FFFFFF0, s18  }
0x41: {  	s19 =	simm.s32 $0x800;
	s20 =	spop (v2sf);
	s0 =	sadd.s32 s4, s0  }
0x42: {  	[tilespmem:s19], [sflag:$0x1] =	stream.linear.gather [hbm4b:s0+s3], $0x80, $0x38;
	[tilespmem:$0x10200] =	vst v63  }
0x43: {  	s0 =	sand.u32 $0x1FFFFFF0, s20  }
0x44: {  	s21 =	simm.s32 $0x880;
	s22 =	spop (v2sf);
	s0 =	sadd.s32 s4, s0  }
0x45: {  	[tilespmem:s21], [sflag:$0x1] =	stream.linear.gather [hbm4b:s0+s3], $0x80, $0x38;
	[tilespmem:$0x10200] =	vst v63  }
0x46: {  	s0 =	sand.u32 $0x1FFFFFF0, s22  }
0x47: {  	s23 =	simm.s32 $0x900;
	s24 =	spop (v2sf);
	s0 =	sadd.s32 s4, s0  }
0x48: {  	[tilespmem:s23], [sflag:$0x1] =	stream.linear.gather [hbm4b:s0+s3], $0x80, $0x38;
	[tilespmem:$0x10200] =	vst v63  }
0x49: {  	s0 =	sand.u32 $0x1FFFFFF0, s24  }
0x4a: {  	s30 =	simm.s32 $0x10;
	s0 =	sadd.s32 s4, s0  }
0x4b: {  	[tilespmem:s25], [sflag:$0x1] =	stream.linear.gather [hbm4b:s0+s3], $0x80, $0x38;
	[tilespmem:$0x10200] =	vst v63  }
0x4c: {  	v0 =	vld [tilespmem:s30+$0x0];
	_ =	sdelay $0x4  }
0x4d: {  	v0 =	vshll.u32 v0, $0x4  }
0x4e: {  	(v2sf) =	vpush v0, $0x0  }
0x4f: {  	(v2sf) =	vpush v0, $0x1  }
0x50: {  	(v2sf) =	vpush v0, $0x2;
	_ =	sdelay $0x1  }
0x51: {  	(v2sf) =	vpush v0, $0x4;
	_ =	sdelay $0x1  }
0x52: {  	(v2sf) =	vpush v0, $0x3  }
0x53: {  	(v2sf) =	vpush v0, $0x5  }
0x54: {  	s31 =	simm.s32 $0x2000;
	s29 =	simm.s32 $0x0;
	(v2sf) =	vpush v0, $0x6  }
.LBB2_2:
0x55: {  	p1 =	sne.s32 s31, $0x3C000  }
0x56: {  	s17 =	sadd.s32 $0xA80, s29;
	s12 =	sadd.s32 $0xF80, s29;
	s0 =	smov.u32 s31  }
0x57: {  	s31 =	sadd.s32 $0x2000, s31;
	s15 =	sadd.s32 $0xD80, s29;
	s1 =	sadd.s32 $0x1000, s29;
	(v2sf) =	vpush v0, $0x7  }
0x58: {  	s2 =	sadd.s32 $0xC80, s29;
	s14 =	sadd.s32 $0xE00, s29;
	s11 =	sadd.s32 $0x1080, s29  }
0x59: {  	s18 =	sadd.s32 $0xA00, s29;
	s19 =	sadd.s32 $0xC00, s29;
	(v2sf) =	vpush v0, $0x8  }
0x5a: {  	s20 =	sadd.s32 $0xD00, s29  }
0x5b: {  	s21 =	sadd.s32 $0xB00, s29;
	s13 =	sadd.s32 $0xF00, s29;
	s16 =	spop (v2sf);
	(v2sf) =	vpush v0, $0x9  }
0x5c: {  	s22 =	sand.u32 $0x1FFFFFF0, s16;
	s16 =	sadd.s32 $0xE80, s29;
	s23 =	spop (v2sf)  }
0x5d: {  	s22 =	sadd.s32 s4, s22;
	s23 =	sand.u32 $0x1FFFFFF0, s23;
	s24 =	spop (v2sf);
	(v2sf) =	vpush v0, $0xA  }
0x5e: {  	[tilespmem:s18], [sflag:$0x1] =	stream.linear.gather [hbm4b:s22+s3], $0x80, $0x38;
	[tilespmem:$0x10200] =	vst v63  }
0x5f: {  	s18 =	sadd.s32 s4, s23;
	s22 =	sadd.s32 $0xB80, s29;
	s23 =	spop (v2sf);
	(v2sf) =	vpush v0, $0xB  }
0x60: {  	[tilespmem:s17], [sflag:$0x1] =	stream.linear.gather [hbm4b:s18+s3], $0x80, $0x38;
	[tilespmem:$0x10200] =	vst v63  }
0x61: {  	s17 =	sand.u32 $0x1FFFFFF0, s24;
	s18 =	sand.u32 $0x1FFFFFF0, s23;
	s23 =	spop (v2sf);
	(v2sf) =	vpush v0, $0xC  }
0x62: {  	s17 =	sadd.s32 s4, s17;
	s23 =	sand.u32 $0x1FFFFFF0, s23;
	s24 =	spop (v2sf)  }
0x63: {  	[tilespmem:s21], [sflag:$0x1] =	stream.linear.gather [hbm4b:s17+s3], $0x80, $0x38;
	(v2sf) =	vpush v0, $0xD;
	[tilespmem:$0x10200] =	vst v63  }
0x64: {  	s17 =	sadd.s32 s4, s23;
	s21 =	sand.u32 $0x1FFFFFF0, s24;
	s23 =	spop (v2sf)  }
0x65: {  	[tilespmem:s22], [sflag:$0x1] =	stream.linear.gather [hbm4b:s17+s3], $0x80, $0x38;
	(v2sf) =	vpush v0, $0xE;
	[tilespmem:$0x10200] =	vst v63  }
0x66: {  	s17 =	sadd.s32 s4, s18;
	s18 =	sand.u32 $0x1FFFFFF0, s23;
	s22 =	spop (v2sf)  }
0x67: {  	[tilespmem:s19], [sflag:$0x1] =	stream.linear.gather [hbm4b:s17+s3], $0x80, $0x38;
	(v2sf) =	vpush v0, $0xF;
	[tilespmem:$0x10200] =	vst v63  }
0x68: {  	s17 =	sadd.s32 s4, s21;
	s19 =	sand.u32 $0x1FFFFFF0, s22;
	s21 =	spop (v2sf)  }
0x69: {  	[tilespmem:s2], [sflag:$0x1] =	stream.linear.gather [hbm4b:s17+s3], $0x80, $0x38;
	[tilespmem:$0x10200] =	vst v63  }
0x6a: {  	s2 =	sadd.s32 s4, s18;
	s17 =	sand.u32 $0x1FFFFFF0, s21;
	s18 =	spop (v2sf)  }
0x6b: {  	[tilespmem:s20], [sflag:$0x1] =	stream.linear.gather [hbm4b:s2+s3], $0x80, $0x38;
	[tilespmem:$0x10200] =	vst v63  }
0x6c: {  	s2 =	sadd.s32 s4, s19;
	s18 =	sand.u32 $0x1FFFFFF0, s18;
	s19 =	spop (v2sf)  }
0x6d: {  	[tilespmem:s15], [sflag:$0x1] =	stream.linear.gather [hbm4b:s2+s3], $0x80, $0x38;
	[tilespmem:$0x10200] =	vst v63  }
0x6e: {  	s2 =	sadd.s32 s4, s17;
	s15 =	sand.u32 $0x1FFFFFF0, s19;
	s17 =	spop (v2sf)  }
0x6f: {  	[tilespmem:s14], [sflag:$0x1] =	stream.linear.gather [hbm4b:s2+s3], $0x80, $0x38;
	[tilespmem:$0x10200] =	vst v63  }
0x70: {  	s2 =	sadd.s32 s4, s18;
	s14 =	sand.u32 $0x1FFFFFF0, s17;
	s17 =	spop (v2sf)  }
0x71: {  	[tilespmem:s16], [sflag:$0x1] =	stream.linear.gather [hbm4b:s2+s3], $0x80, $0x38;
	[tilespmem:$0x10200] =	vst v63  }
0x72: {  	s2 =	sadd.s32 s4, s15;
	s15 =	sand.u32 $0x1FFFFFF0, s17;
	s16 =	spop (v2sf)  }
0x73: {  	[tilespmem:s13], [sflag:$0x1] =	stream.linear.gather [hbm4b:s2+s3], $0x80, $0x38;
	[tilespmem:$0x10200] =	vst v63  }
0x74: {  	s2 =	sadd.s32 s4, s14;
	s13 =	sand.u32 $0x1FFFFFF0, s16;
	s14 =	spop (v2sf)  }
0x75: {  	[tilespmem:s12], [sflag:$0x1] =	stream.linear.gather [hbm4b:s2+s3], $0x80, $0x38;
	[tilespmem:$0x10200] =	vst v63  }
0x76: {  	s2 =	sadd.s32 s4, s15;
	s12 =	sand.u32 $0x1FFFFFF0, s14;
	s14 =	spop (v2sf)  }
0x77: {  	[tilespmem:s1], [sflag:$0x1] =	stream.linear.gather [hbm4b:s2+s3], $0x80, $0x38;
	[tilespmem:$0x10200] =	vst v63  }
0x78: {  	s1 =	sadd.s32 s4, s13;
	s2 =	sand.u32 $0x1FFFFFF0, s14  }
0x79: {  	[tilespmem:s11], [sflag:$0x1] =	stream.linear.gather [hbm4b:s1+s3], $0x80, $0x38;
	[tilespmem:$0x10200] =	vst v63  }
0x7a: {  	s30 =	sadd.s32 $0x10, s30;
	s1 =	sadd.s32 $0x1100, s29;
	s11 =	sadd.s32 s4, s12  }
0x7b: {  	[tilespmem:s1], [sflag:$0x1] =	stream.linear.gather [hbm4b:s11+s3], $0x80, $0x38;
	[tilespmem:$0x10200] =	vst v63  }
0x7c: {  	s2 =	sadd.s32 s4, s2;
	s1 =	sadd.s32 $0x1180, s29  }
0x7d: {  	[tilespmem:s1], [sflag:$0x1] =	stream.linear.gather [hbm4b:s2+s3], $0x80, $0x38;
	[tilespmem:$0x10200] =	vst v63  }
0x7e: {  	_ =	swait.ge [sflag:s26], $0x800  }
0x7f: {  	[sflag:s26] =	ssyncset.done $0x0  }
0x80: {  	[sflag:s26] =	ssyncadd.s32 $0xFFFFF800  }
0x81: {  	v0 =	vld [tilespmem:s30+$0x0];
	_ =	sdelay $0x4  }
0x82: {  	v0 =	vshll.u32 v0, $0x4  }
0x83: {  	(v2sf) =	vpush v0, $0x0  }
0x84: {  	(v2sf) =	vpush v0, $0x1  }
0x85: {  	(v2sf) =	vpush v0, $0x2;
	_ =	sdelay $0x1  }
0x86: {  	(v2sf) =	vpush v0, $0x4  }
.Ltmp0:
0x87: {  	(pc) =	sbr.rel @p1 .LBB2_2-.Ltmp0, $3  }
0x88: {  	(v2sf) =	vpush v0, $0x3  }
0x89: {  	(v2sf) =	vpush v0, $0x5;
	_ =	sdelay $0x1  }
0x8a: {  	s29 =	sshra.s32 s0, $0x2;
	(v2sf) =	vpush v0, $0x6  }
0x8b: {  	_ =	sdelay $0x5  }
0x8c: {  	s0 =	spop (v2sf)  }
0x8d: {  	s1 =	spop (v2sf)  }
0x8e: {  	s15 =	spop (v2sf)  }
0x8f: {  	s18 =	spop (v2sf);
	(v2sf) =	vpush v0, $0x7  }
0x90: {  	s0 =	sand.u32 $0x1FFFFFF0, s0  }
0x91: {  	s2 =	sadd.s32 $0xA00, s29;
	s0 =	sadd.s32 s4, s0  }
0x92: {  	[tilespmem:s2], [sflag:$0x1] =	stream.linear.gather [hbm4b:s0+s3], $0x80, $0x38;
	[tilespmem:$0x10200] =	vst v63  }
0x93: {  	s1 =	sand.u32 $0x1FFFFFF0, s1;
	s19 =	spop (v2sf);
	(v2sf) =	vpush v0, $0x8  }
0x94: {  	s14 =	sadd.s32 $0xA80, s29;
	s1 =	sadd.s32 s4, s1  }
0x95: {  	[tilespmem:s14], [sflag:$0x1] =	stream.linear.gather [hbm4b:s1+s3], $0x80, $0x38;
	[tilespmem:$0x10200] =	vst v63  }
0x96: {  	s16 =	sand.u32 $0x1FFFFFF0, s15;
	s23 =	spop (v2sf);
	(v2sf) =	vpush v0, $0x9  }
0x97: {  	s17 =	sadd.s32 $0xB00, s29;
	s0 =	sadd.s32 s4, s16  }
0x98: {  	[tilespmem:s17], [sflag:$0x1] =	stream.linear.gather [hbm4b:s0+s3], $0x80, $0x38;
	[tilespmem:$0x10200] =	vst v63  }
0x99: {  	s0 =	sand.u32 $0x1FFFFFF0, s19;
	s30 =	spop (v2sf);
	(v2sf) =	vpush v0, $0xA  }
0x9a: {  	s20 =	sadd.s32 $0xB80, s29;
	s21 =	sand.u32 $0x1FFFFFF0, s18;
	s0 =	sadd.s32 s4, s0  }
0x9b: {  	[tilespmem:s20], [sflag:$0x1] =	stream.linear.gather [hbm4b:s0+s3], $0x80, $0x38;
	[tilespmem:$0x10200] =	vst v63  }
0x9c: {  	s22 =	sadd.s32 $0xC00, s29;
	s0 =	sadd.s32 s4, s21  }
0x9d: {  	[tilespmem:s22], [sflag:$0x1] =	stream.linear.gather [hbm4b:s0+s3], $0x80, $0x38;
	[tilespmem:$0x10200] =	vst v63  }
0x9e: {  	s0 =	sand.u32 $0x1FFFFFF0, s23;
	s1 =	spop (v2sf);
	(v2sf) =	vpush v0, $0xB  }
0x9f: {  	s24 =	sadd.s32 $0xC80, s29;
	s0 =	sadd.s32 s4, s0  }
0xa0: {  	[tilespmem:s24], [sflag:$0x1] =	stream.linear.gather [hbm4b:s0+s3], $0x80, $0x38;
	[tilespmem:$0x10200] =	vst v63  }
0xa1: {  	s0 =	sand.u32 $0x1FFFFFF0, s30  }
0xa2: {  	s31 =	sadd.s32 $0xD00, s29;
	s0 =	sadd.s32 s4, s0;
	s11 =	spop (v2sf);
	(v2sf) =	vpush v0, $0xC  }
0xa3: {  	[tilespmem:s31], [sflag:$0x1] =	stream.linear.gather [hbm4b:s0+s3], $0x80, $0x38;
	[tilespmem:$0x10200] =	vst v63  }
0xa4: {  	s0 =	sand.u32 $0x1FFFFFF0, s1  }
0xa5: {  	s2 =	sadd.s32 $0xD80, s29;
	s0 =	sadd.s32 s4, s0;
	s13 =	spop (v2sf);
	(v2sf) =	vpush v0, $0xD  }
0xa6: {  	[tilespmem:s2], [sflag:$0x1] =	stream.linear.gather [hbm4b:s0+s3], $0x80, $0x38;
	[tilespmem:$0x10200] =	vst v63  }
0xa7: {  	s0 =	sand.u32 $0x1FFFFFF0, s11  }
0xa8: {  	s12 =	sadd.s32 $0xE00, s29;
	s0 =	sadd.s32 s4, s0;
	s15 =	spop (v2sf);
	(v2sf) =	vpush v0, $0xE  }
0xa9: {  	[tilespmem:s12], [sflag:$0x1] =	stream.linear.gather [hbm4b:s0+s3], $0x80, $0x38;
	[tilespmem:$0x10200] =	vst v63  }
0xaa: {  	s0 =	sand.u32 $0x1FFFFFF0, s13  }
0xab: {  	s14 =	sadd.s32 $0xE80, s29;
	s0 =	sadd.s32 s4, s0  }
0xac: {  	[tilespmem:s14], [sflag:$0x1] =	stream.linear.gather [hbm4b:s0+s3], $0x80, $0x38;
	[tilespmem:$0x10200] =	vst v63  }
0xad: {  	s0 =	sand.u32 $0x1FFFFFF0, s15;
	s17 =	spop (v2sf);
	(v2sf) =	vpush v0, $0xF  }
0xae: {  	s16 =	sadd.s32 $0xF00, s29;
	s0 =	sadd.s32 s4, s0  }
0xaf: {  	[tilespmem:s16], [sflag:$0x1] =	stream.linear.gather [hbm4b:s0+s3], $0x80, $0x38;
	[tilespmem:$0x10200] =	vst v63  }
0xb0: {  	s0 =	sand.u32 $0x1FFFFFF0, s17  }
0xb1: {  	s18 =	sadd.s32 $0xF80, s29;
	s0 =	sadd.s32 s4, s0;
	s19 =	spop (v2sf)  }
0xb2: {  	[tilespmem:s18], [sflag:$0x1] =	stream.linear.gather [hbm4b:s0+s3], $0x80, $0x38;
	[tilespmem:$0x10200] =	vst v63  }
0xb3: {  	s0 =	sand.u32 $0x1FFFFFF0, s19  }
0xb4: {  	s20 =	sadd.s32 $0x1000, s29;
	s21 =	spop (v2sf);
	s0 =	sadd.s32 s4, s0  }
0xb5: {  	[tilespmem:s20], [sflag:$0x1] =	stream.linear.gather [hbm4b:s0+s3], $0x80, $0x38;
	[tilespmem:$0x10200] =	vst v63  }
0xb6: {  	s0 =	sand.u32 $0x1FFFFFF0, s21  }
0xb7: {  	s22 =	sadd.s32 $0x1080, s29;
	s23 =	spop (v2sf);
	s0 =	sadd.s32 s4, s0  }
0xb8: {  	[tilespmem:s22], [sflag:$0x1] =	stream.linear.gather [hbm4b:s0+s3], $0x80, $0x38;
	[tilespmem:$0x10200] =	vst v63  }
0xb9: {  	s0 =	sand.u32 $0x1FFFFFF0, s23  }
0xba: {  	s24 =	sadd.s32 $0x1100, s29;
	s0 =	sadd.s32 s4, s0  }
0xbb: {  	[tilespmem:s24], [sflag:$0x1] =	stream.linear.gather [hbm4b:s0+s3], $0x80, $0x38;
	[tilespmem:$0x10200] =	vst v63  }
0xbc: {  	s30 =	spop (v2sf)  }
0xbd: {  	s0 =	sand.u32 $0x1FFFFFF0, s30  }
0xbe: {  	s31 =	sadd.s32 $0x1180, s29;
	s0 =	sadd.s32 s4, s0  }
0xbf: {  	[tilespmem:s31], [sflag:$0x1] =	stream.linear.gather [hbm4b:s0+s3], $0x80, $0x38;
	[tilespmem:$0x10200] =	vst v63  }
0xc0: {  	_ =	swait.ge [sflag:s26], $0x800  }
0xc1: {  	[sflag:s26] =	ssyncset.done $0x0  }
0xc2: {  	[sflag:s26] =	ssyncadd.s32 $0xFFFFF800  }
0xc3: {  	_ =	swait.ge [sflag:s26], $0x800  }
0xc4: {  	[sflag:s26] =	ssyncset.done $0x0  }
0xc5: {  	[sflag:s26] =	ssyncadd.s32 $0xFFFFF800  }
0xc6: {  	[hbm4b:s7+s3] =	stream.linear.scatter [tilespmem:s10], [sflag:$0x2], $0x10000, $0x38;
	[tilespmem:$0x10200] =	vst v63  }
0xc7: {  	_ =	swait.ge [sflag:s9], $0x10000  }
0xc8: {  	s0 =	stileid.u32;
	[sflag:s9] =	ssyncset.done $0x0  }
0xc9: {  	s28 =	sadd.s32 $0x1, s28;
	s0 =	sshll.u32 @!p0 s0, $0x6;
	[sflag:s9] =	ssyncadd.s32 $0xFFFF0000  }
0xca: {  	p1 =	sne.s32 s28, s8;
	s0 =	sor.u32 @!p0 $0x1C02, s0;
	s1 =	rddreg [dreg:$0x2]  }
0xcb: {  	[hbm:s5], [sflag:s0] =	dma.local @!p0 [hbm:s1], $0x80  }
.Ltmp1:
0xcc: {  	_ = 	snop;
	(pc) =	sbr.rel @p1 .LBB2_1-.Ltmp1, $4  }
0xcd: {  	s0 =	simm.s32 @!p0 $0x2  }
0xce: {  	_ =	swait.ge @!p0 [sflag:s0], $0x80  }
0xcf: {  	[sflag:s0] =	ssyncset.done @!p0 $0x0  }
0xd0: {  	[sflag:s0] =	ssyncadd.s32 @!p0 $0xFFFFFF80  }
0xd1: {  	_ =	sfence.sel $0x180000  }
0xd2: {  	[bflag:$0x0] =	sbarrier.arrive $0xFFFF  }
0xd3: {  	_ =	strace $0x90000047  }
0xd4: {  	s0 =	stileid.u32;
	[bflag:$0x2] =	sbarrier.arrive $0xFFFF  }
0xd5: {  	p0 =	sne.s32 s0, $0x0;
	s0 =	rddreg [dreg:$0x3]  }
0xd6: {  	s0 =	sadd.s32 @!p0 $0x100000, s0  }
0xd7: {  	[sflag:s0] =	ssyncadd.tile.s32 @!p0 $0x1;
	_ =	shalt  }
.Lfunc_end2:
_tile_overlayer_lowered:
.L_overlay_start_2:
0xd8: {  	(tag) =	ssettag $0x2  }
0xd9: {  	s0 =	rddreg [dreg:$0x0];
	s2 =	stileid.u32  }
0xda: {  	s1 =	rddreg [dreg:$0x1];
	p0 =	sne.s32 s2, $0x0  }
0xdb: {  	s3 =	rddreg [dreg:$0x2];
	[bflag:$0x3] =	sbarrier.arrive $0xFFFF;
	s2 =	simm.s32 @!p0 $0x1C02  }
0xdc: {  	[timem:s3], [sflag:s2] =	dma.local @!p0 [hbm:s0], s1  }
0xdd: {  	s0 =	simm.s32 @!p0 $0x2  }
0xde: {  	_ =	swait.ge @!p0 [sflag:s0], s1  }
0xdf: {  	s1 =	ssub.s32 @!p0 $0x0, s1;
	[sflag:s0] =	ssyncset.done @!p0 $0x0  }
0xe0: {  	[sflag:s0] =	ssyncadd.s32 @!p0 s1  }
0xe1: {  	[bflag:$0x3] =	sbarrier.arrive $0xFFFF  }
0xe2: {  	_ =	shalt  }

</sc_bundles>
